<compile_context>
chip_gen: v7x
topology: tpu7x:2x2x1
jax: 0.10.2.dev20260603
libtpu: 0.0.44.dev20260713+nightly
codegen_flags: <defaults>
</compile_context>

<pallas_src>
import jax
import jax.numpy as jnp
from jax import lax
from jax.experimental import pallas as pl
from jax.experimental.pallas import tpu as pltpu
from jax.experimental.pallas import tpu_sc as plsc

N = 10000
NP = 10240
E = 160000
NC = 2
NS = 16
NB = 40
EB = 125
RPT = NP // NS
F = 128
BM = 1024
MB = NP // BM


def _sc_mesh():
    return plsc.VectorSubcoreMesh(core_axis_name="c", subcore_axis_name="s")




def _make_agg(C: int):

    out_type = jax.ShapeDtypeStruct((NC, C, NP, F), jnp.float32)

    scratch = [
        pltpu.VMEM_SHARED((NP, F), jnp.float32),
        pltpu.VMEM((NB, EB), jnp.int32),
        pltpu.VMEM((NB, EB), jnp.int32),
        pltpu.VMEM((EB, F), jnp.float32),
        pltpu.VMEM((EB, F), jnp.float32),
        pltpu.SemaphoreType.DMA,
        pltpu.SemaphoreType.DMA,
        pltpu.SemaphoreType.DMA,
        pltpu.SemaphoreType.DMA,
    ]

    def body(h_flat, src_off, dst_r, zrows, s_out, accum, srcv, dstv,
             rows0, rows1, sem0, sem1, ssem0, ssem1):
        ci = lax.axis_index("c")
        si = lax.axis_index("s")
        tbase = si * RPT

        pltpu.sync_copy(dst_r.at[ci, si], dstv)

        def gather(b, rbuf, sem):
            pltpu.async_copy(h_flat.at[srcv.at[b]], rbuf, sem)

        def gwait(b, rbuf, sem):
            pltpu.make_async_copy(h_flat.at[srcv.at[b]], rbuf, sem).wait()

        def scat(b, rbuf, sem):
            pltpu.async_copy(rbuf, accum.at[dstv.at[b]], sem, add=True)

        def swait(b, rbuf, sem):
            pltpu.make_async_copy(
                rbuf, accum.at[dstv.at[b]], sem).wait()

        def chunk_pass(c, _):
            pltpu.sync_copy(src_off.at[c, ci, si], srcv)
            pltpu.sync_copy(zrows, accum.at[pl.ds(tbase, RPT)])
            plsc.subcore_barrier()

            gather(0, rows0, sem0)
            gather(1, rows1, sem1)

            def pair(g, __):
                b0 = 2 * g
                b1 = 2 * g + 1
                gwait(b0, rows0, sem0)
                scat(b0, rows0, ssem0)
                gwait(b1, rows1, sem1)
                scat(b1, rows1, ssem1)

                @pl.when(g < NB // 2 - 1)
                def _():
                    swait(b0, rows0, ssem0)
                    gather(b0 + 2, rows0, sem0)
                    swait(b1, rows1, ssem1)
                    gather(b1 + 2, rows1, sem1)

                return 0

            lax.fori_loop(0, NB // 2, pair, 0)
            swait(NB - 2, rows0, ssem0)
            swait(NB - 1, rows1, ssem1)
            plsc.subcore_barrier()
            pltpu.sync_copy(accum.at[pl.ds(tbase, RPT)],
                            s_out.at[ci, c, pl.ds(tbase, RPT)])
            plsc.subcore_barrier()
            return 0

        lax.fori_loop(0, C, chunk_pass, 0)

    return pl.kernel(
        body,
        out_type=out_type,
        mesh=_sc_mesh(),
        scratch_types=scratch,
    )



_TC_PARAMS = dict(
    compiler_params=pltpu.CompilerParams(
        dimension_semantics=("parallel", "arbitrary")),
)


def _make_wr(C_h: int, C_out: int):
    K = C_h
    DOUT = C_out * F

    def body(h_ref, wr_ref, b_ref, out_ref):
        k = pl.program_id(1)

        @pl.when(k == 0)
        def _():
            out_ref[...] = jnp.zeros(out_ref.shape, out_ref.dtype)

        t = jnp.dot(h_ref[0].astype(jnp.bfloat16), wr_ref[0],
                    preferred_element_type=jnp.float32)
        for c in range(C_out):
            out_ref[c] += t[:, c * F:(c + 1) * F]

        @pl.when(k == K - 1)
        def _():
            for c in range(C_out):
                out_ref[c] += b_ref[0, c * F:(c + 1) * F][None, :]

    return pl.pallas_call(
        body,
        grid=(MB, K),
        in_specs=[
            pl.BlockSpec((1, BM, F), lambda m, k: (k, m, 0)),
            pl.BlockSpec((1, F, DOUT), lambda m, k: (k, 0, 0)),
            pl.BlockSpec((1, DOUT), lambda m, k: (0, 0)),
        ],
        out_specs=pl.BlockSpec((C_out, BM, F), lambda m, k: (0, m, 0)),
        out_shape=jax.ShapeDtypeStruct((C_out, NP, F), jnp.float32),
        **_TC_PARAMS,
    )


def _make_combine(C_a: int, C_out: int, cnt_cs: int, cnt_idx: int,
                  sec_dout: int, act, emit_h: bool):
    K = C_a
    DOUT = C_out * F
    SC_CH = sec_dout // F if sec_dout else 0

    def body(*refs):
        it = iter(refs)
        s_ref = next(it)
        cnt_ref = next(it)
        wrp_ref = next(it)
        wl_ref = next(it)
        w2_ref = next(it) if sec_dout else None
        b2_ref = next(it) if sec_dout else None
        h_ref = next(it) if emit_h else None
        sec_ref = next(it) if sec_dout else None
        acc_ref = next(it)

        k = pl.program_id(1)

        @pl.when(k == 0)
        def _():
            acc_ref[...] = jnp.zeros(acc_ref.shape, acc_ref.dtype)

        cnt = cnt_ref[0, 0, :, 0:1] + cnt_ref[1, 0, :, 0:1]
        inv = 1.0 / jnp.maximum(cnt, 1.0)
        a = (s_ref[0, 0] + s_ref[1, 0]) * inv
        acc_ref[...] += jnp.dot(a.astype(jnp.bfloat16), wl_ref[0],
                                preferred_element_type=jnp.float32)

        @pl.when(k == K - 1)
        def _():
            parts = []
            for c in range(C_out):
                v = acc_ref[:, c * F:(c + 1) * F] + wrp_ref[c]
                if act is not None:
                    v = act(v)
                if emit_h:
                    h_ref[c] = v
                parts.append(v)
            if sec_dout:
                vfull = jnp.concatenate(parts, axis=1)
                t2 = jnp.dot(vfull.astype(jnp.bfloat16), w2_ref[...],
                             preferred_element_type=jnp.float32)
                for c2 in range(SC_CH):
                    sec_ref[c2] = (t2[:, c2 * F:(c2 + 1) * F]
                                   + b2_ref[0, c2 * F:(c2 + 1) * F][None, :])

    in_specs = [
        pl.BlockSpec((NC, 1, BM, F), lambda m, k: (0, k, m, 0)),
        pl.BlockSpec((NC, 1, BM, F), lambda m, k: (0, cnt_idx, m, 0)),
        pl.BlockSpec((C_out, BM, F), lambda m, k: (0, m, 0)),
        pl.BlockSpec((1, F, DOUT), lambda m, k: (k, 0, 0)),
    ]
    if sec_dout:
        in_specs.append(pl.BlockSpec((DOUT, sec_dout), lambda m, k: (0, 0)))
        in_specs.append(pl.BlockSpec((1, sec_dout), lambda m, k: (0, 0)))

    out_specs = []
    out_shape = []
    if emit_h:
        out_specs.append(pl.BlockSpec((C_out, BM, F), lambda m, k: (0, m, 0)))
        out_shape.append(jax.ShapeDtypeStruct((C_out, NP, F), jnp.float32))
    if sec_dout:
        out_specs.append(pl.BlockSpec((SC_CH, BM, F), lambda m, k: (0, m, 0)))
        out_shape.append(jax.ShapeDtypeStruct((SC_CH, NP, F), jnp.float32))

    return pl.pallas_call(
        body,
        grid=(MB, K),
        in_specs=in_specs,
        out_specs=out_specs,
        out_shape=out_shape,
        scratch_shapes=[pltpu.VMEM((BM, DOUT), jnp.float32)],
        **_TC_PARAMS,
    )


def _make_final(cnt_cs: int, cnt_idx: int):
    DOUT = 2 * F

    def body(sp_ref, cnt_ref, w2_ref, o1_ref, o2_ref):
        cnt = cnt_ref[0, 0, :, 0:1] + cnt_ref[1, 0, :, 0:1]
        inv = 1.0 / jnp.maximum(cnt, 1.0)
        mean = jnp.concatenate(
            [(sp_ref[0, c] + sp_ref[1, c]) * inv for c in range(2)], axis=1)
        wrp2 = jnp.concatenate([w2_ref[c] for c in range(2)], axis=1)
        v = mean + wrp2
        o1_ref[...] = v
        o2_ref[...] = jax.nn.sigmoid(v)

    return pl.pallas_call(
        body,
        grid=(MB,),
        in_specs=[
            pl.BlockSpec((NC, 2, BM, F), lambda m: (0, 0, m, 0)),
            pl.BlockSpec((NC, 1, BM, F), lambda m: (0, cnt_idx, m, 0)),
            pl.BlockSpec((2, BM, F), lambda m: (1, m, 0)),
        ],
        out_specs=[
            pl.BlockSpec((BM, DOUT), lambda m: (m, 0)),
            pl.BlockSpec((BM, DOUT), lambda m: (m, 0)),
        ],
        out_shape=[
            jax.ShapeDtypeStruct((NP, DOUT), jnp.float32),
            jax.ShapeDtypeStruct((NP, DOUT), jnp.float32),
        ],
        compiler_params=pltpu.CompilerParams(
            dimension_semantics=("parallel",)),
    )


def _chunk_w(w):
    dout, din = w.shape
    return w.T.reshape(din // F, F, dout).astype(jnp.bfloat16)


def _src_offsets(src_r, chunk_ids):
    cs = jnp.asarray(chunk_ids, dtype=jnp.int32) * NP
    return src_r[None] + cs.reshape(-1, 1, 1, 1, 1)


def kernel(x, edge_index, Wl0, bl0, Wr0, Wl1, bl1, Wr1, Wl2, bl2, Wr2):
    src = edge_index[0].reshape(NC, NS, NB, EB)
    dst = edge_index[1].reshape(NC, NS, NB, EB)

    xp = jnp.pad(x, ((0, NP - N), (0, 0)))
    x_cm = jnp.stack([xp[:, :F], xp[:, F:]])
    zrows = jnp.zeros((RPT, F), jnp.float32)

    h_flat0 = jnp.concatenate(
        [x_cm.reshape(2 * NP, F), jnp.ones((NP, F), jnp.float32)])
    s_all = _make_agg(3)(h_flat0, _src_offsets(src, [0, 1, 2]), dst, zrows)
    wrp0 = _make_wr(2, 4)(x_cm, _chunk_w(Wr0), bl0.reshape(1, -1))

    h1, wrp1 = _make_combine(2, 4, 3, 2, 512, jax.nn.relu, True)(
        s_all, s_all, wrp0, _chunk_w(Wl0),
        Wr1.T.astype(jnp.bfloat16), bl1.reshape(1, -1))

    s_1 = _make_agg(4)(h1.reshape(4 * NP, F),
                       _src_offsets(src, [0, 1, 2, 3]), dst, zrows)

    w2cat = jnp.concatenate(
        [Wl2.T, Wr2.T], axis=1).astype(jnp.bfloat16)
    b2cat = jnp.concatenate(
        [jnp.zeros((256,), jnp.float32), bl2]).reshape(1, -1)
    (sec,) = _make_combine(4, 4, 3, 2, 512, jax.nn.relu, False)(
        s_1, s_all, wrp1, _chunk_w(Wl1), w2cat, b2cat)

    s_p = _make_agg(2)(sec.reshape(4 * NP, F),
                       _src_offsets(src, [0, 1]), dst, zrows)

    h, sig = _make_final(3, 2)(s_p, s_all, sec)
    return (h[:N], sig[:N])

# --- scband reference (transcript-rebuilt; emitter-appended) ---
"""Pipeline reference for scband-susagebin-15247133901326 (READ-ONLY COPY).

The authoritative reference and input builder live on the scoring server;
editing this copy changes nothing except your own understanding.
"""

import jax, jax.numpy as jnp
import numpy as np

N = 10000
E = 160000
DIM_IN, DIM_H, DIM_OUT = 256, 512, 256


def _sage_layer(x, src, dst, Wl, bl, Wr):
    # PyG SAGEConv with aggr='mean':
    #   out = lin_l(mean_{j in N(i)} x_j) + lin_r(x_i)
    msg = jnp.take(x, src, axis=0)
    summed = jax.ops.segment_sum(msg, dst, num_segments=N)
    cnt = jax.ops.segment_sum(jnp.ones((src.shape[0],), dtype=x.dtype), dst, num_segments=N)
    mean = summed / jnp.clip(cnt, 1.0, None)[:, None]
    return mean @ Wl.T + bl + x @ Wr.T


def setup_inputs(seed: int = 0) -> dict:
    key = jax.random.key(seed)
    ks = jax.random.split(key, 16)
    x = jax.random.normal(ks[0], (N, DIM_IN), dtype=jnp.float32)
    edge_index = jax.random.randint(ks[1], (2, E), 0, N, dtype=jnp.int32)
    dims = [(DIM_IN, DIM_H), (DIM_H, DIM_H), (DIM_H, DIM_OUT)]
    out = {"x": x, "edge_index": edge_index}
    for i, (din, dout) in enumerate(dims):
        s = 1.0 / np.sqrt(din)
        out[f"Wl{i}"] = jax.random.normal(ks[2 + 3 * i], (dout, din), dtype=jnp.float32) * s
        out[f"bl{i}"] = jnp.zeros((dout,), dtype=jnp.float32)
        out[f"Wr{i}"] = jax.random.normal(ks[3 + 3 * i], (dout, din), dtype=jnp.float32) * s
    return out


def reference(x, edge_index, Wl0, bl0, Wr0, Wl1, bl1, Wr1, Wl2, bl2, Wr2):
    src = edge_index[0]
    dst = edge_index[1]
    h = _sage_layer(x, src, dst, Wl0, bl0, Wr0)
    h = jax.nn.relu(h)  # dropout p=0.1 is identity in eval mode
    h = _sage_layer(h, src, dst, Wl1, bl1, Wr1)
    h = jax.nn.relu(h)
    h = _sage_layer(h, src, dst, Wl2, bl2, Wr2)
    return (h, jax.nn.sigmoid(h))

if __name__ == "__main__":
    import jax
    _d = setup_inputs()
    print(jax.jit(kernel)(*tuple(_d.values())))

</pallas_src>

<mosaic_0001>
#map = affine_map<(d0, d1) -> (0, 0)>
#map1 = affine_map<(d0, d1) -> (0, 0, 0, 0, 0)>
#map2 = affine_map<(d0, d1) -> (0, 0, 0, 0)>
module attributes {stable_mosaic.version = 14 : i64} {
  func.func @body(%arg0: i32, %arg1: i32, %arg2: memref<40960x128xf32, #tpu.memory_space<hbm>>, %arg3: memref<2x2x16x40x125xi32, #tpu.memory_space<hbm>>, %arg4: memref<2x16x40x125xi32, #tpu.memory_space<hbm>>, %arg5: memref<640x128xf32, #tpu.memory_space<hbm>>, %arg6: memref<2x2x10240x128xf32, #tpu.memory_space<hbm>>, %arg7: memref<10240x128xf32, #tpu.memory_space<vmem_shared>>, %arg8: memref<40x125xi32, #tpu.memory_space<vmem>>, %arg9: memref<40x125xi32, #tpu.memory_space<vmem>>, %arg10: memref<125x128xf32, #tpu.memory_space<vmem>>, %arg11: memref<125x128xf32, #tpu.memory_space<vmem>>, %arg12: memref<!tpu.dma_semaphore, #tpu.memory_space<semaphore_mem>>, %arg13: memref<!tpu.dma_semaphore, #tpu.memory_space<semaphore_mem>>, %arg14: memref<!tpu.dma_semaphore, #tpu.memory_space<semaphore_mem>>, %arg15: memref<!tpu.dma_semaphore, #tpu.memory_space<semaphore_mem>>) attributes {dimension_semantics = [#tpu.dimension_semantics<core_parallel>, #tpu.dimension_semantics<subcore_parallel>], iteration_bounds = array<i64: 2, 16>, scalar_prefetch = 0 : i64, scratch_operands = 9 : i64, tpu.core_type = #tpu.core_type<sc_vector_subcore>, window_params = [{transform_indices = #map}, {transform_indices = #map1}, {transform_indices = #map2}, {transform_indices = #map}, {transform_indices = #map2}]} {
    %mul3A = arith.constant 640 : i32
    %mul3A_0 = arith.muli %arg1, %mul3A : i32
    "tpu.region"() ({
      %run_scoped3A = tpu.sem_alloc : memref<!tpu.dma_semaphore, #tpu.memory_space<semaphore_mem>>
      %dma_start3A = arith.constant 0 : i32
      %dma_start3A_7 = arith.constant 0 : i32
      %dma_start3A_8 = tpu.memref_slice %arg4[%arg0, %arg1, %dma_start3A, %dma_start3A_7] : memref<2x16x40x125xi32, #tpu.memory_space<hbm>> -> memref<1x1x40x125xi32, #tpu.memory_space<hbm>>
      %dma_start3A_9 = tpu.memref_squeeze %dma_start3A_8 : memref<1x1x40x125xi32, #tpu.memory_space<hbm>> -> memref<40x125xi32, #tpu.memory_space<hbm>>
      %dma_start3A_10 = arith.constant 0 : i32
      %dma_start3A_11 = arith.constant 0 : i32
      %dma_start3A_12 = tpu.memref_slice %arg4[%arg0, %arg1, %dma_start3A_10, %dma_start3A_11] : memref<2x16x40x125xi32, #tpu.memory_space<hbm>> -> memref<1x1x40x125xi32, #tpu.memory_space<hbm>>
      %dma_start3A_13 = tpu.memref_squeeze %dma_start3A_12 : memref<1x1x40x125xi32, #tpu.memory_space<hbm>> -> memref<40x125xi32, #tpu.memory_space<hbm>>
      tpu.enqueue_dma source(%dma_start3A_13 : memref<40x125xi32, #tpu.memory_space<hbm>>) target(%arg9 : memref<40x125xi32, #tpu.memory_space<vmem>>) target_semaphore(%run_scoped3A : memref<!tpu.dma_semaphore, #tpu.memory_space<semaphore_mem>>)
      %dma_wait3A = arith.constant 0 : i32
      %dma_wait3A_14 = arith.constant 0 : i32
      %dma_wait3A_15 = tpu.memref_slice %arg4[%arg0, %arg1, %dma_wait3A, %dma_wait3A_14] : memref<2x16x40x125xi32, #tpu.memory_space<hbm>> -> memref<1x1x40x125xi32, #tpu.memory_space<hbm>>
      %dma_wait3A_16 = tpu.memref_squeeze %dma_wait3A_15 : memref<1x1x40x125xi32, #tpu.memory_space<hbm>> -> memref<40x125xi32, #tpu.memory_space<hbm>>
      %dma_wait3A_17 = arith.constant 0 : i32
      %dma_wait3A_18 = arith.constant 0 : i32
      %dma_wait3A_19 = tpu.memref_slice %arg4[%arg0, %arg1, %dma_wait3A_17, %dma_wait3A_18] : memref<2x16x40x125xi32, #tpu.memory_space<hbm>> -> memref<1x1x40x125xi32, #tpu.memory_space<hbm>>
      %dma_wait3A_20 = tpu.memref_squeeze %dma_wait3A_19 : memref<1x1x40x125xi32, #tpu.memory_space<hbm>> -> memref<40x125xi32, #tpu.memory_space<hbm>>
      tpu.wait_dma2 semaphore(%run_scoped3A : memref<!tpu.dma_semaphore, #tpu.memory_space<semaphore_mem>>) src(%dma_wait3A_20 : memref<40x125xi32, #tpu.memory_space<hbm>>) dst(%arg9 : memref<40x125xi32, #tpu.memory_space<vmem>>)
      tpu.yield
    }) : () -> ()
    %scan3A = arith.constant 0 : i32
    %scan3A_1 = arith.constant 0 : i32
    %scan3A_2 = arith.constant 2 : i32
    %scan3A_3 = arith.addi %scan3A_1, %scan3A_2 : i32
    %scan3A_4 = arith.constant 1 : i32
    %scan3A_5 = scf.for %scan3A_7 = %scan3A_1 to %scan3A_3 step %scan3A_4 iter_args(%scan3A_8 = %scan3A) -> (i32)  : i32 {
      "tpu.region"() ({
        %run_scoped3A = tpu.sem_alloc : memref<!tpu.dma_semaphore, #tpu.memory_space<semaphore_mem>>
        %dma_start3A_45 = arith.constant 0 : i32
        %dma_start3A_46 = arith.constant 0 : i32
        %dma_start3A_47 = tpu.memref_slice %arg3[%scan3A_7, %arg0, %arg1, %dma_start3A_45, %dma_start3A_46] : memref<2x2x16x40x125xi32, #tpu.memory_space<hbm>> -> memref<1x1x1x40x125xi32, #tpu.memory_space<hbm>>
        %dma_start3A_48 = tpu.memref_squeeze %dma_start3A_47 : memref<1x1x1x40x125xi32, #tpu.memory_space<hbm>> -> memref<40x125xi32, #tpu.memory_space<hbm>>
        %dma_start3A_49 = arith.constant 0 : i32
        %dma_start3A_50 = arith.constant 0 : i32
        %dma_start3A_51 = tpu.memref_slice %arg3[%scan3A_7, %arg0, %arg1, %dma_start3A_49, %dma_start3A_50] : memref<2x2x16x40x125xi32, #tpu.memory_space<hbm>> -> memref<1x1x1x40x125xi32, #tpu.memory_space<hbm>>
        %dma_start3A_52 = tpu.memref_squeeze %dma_start3A_51 : memref<1x1x1x40x125xi32, #tpu.memory_space<hbm>> -> memref<40x125xi32, #tpu.memory_space<hbm>>
        tpu.enqueue_dma source(%dma_start3A_52 : memref<40x125xi32, #tpu.memory_space<hbm>>) target(%arg8 : memref<40x125xi32, #tpu.memory_space<vmem>>) target_semaphore(%run_scoped3A : memref<!tpu.dma_semaphore, #tpu.memory_space<semaphore_mem>>)
        %dma_wait3A_53 = arith.constant 0 : i32
        %dma_wait3A_54 = arith.constant 0 : i32
        %dma_wait3A_55 = tpu.memref_slice %arg3[%scan3A_7, %arg0, %arg1, %dma_wait3A_53, %dma_wait3A_54] : memref<2x2x16x40x125xi32, #tpu.memory_space<hbm>> -> memref<1x1x1x40x125xi32, #tpu.memory_space<hbm>>
        %dma_wait3A_56 = tpu.memref_squeeze %dma_wait3A_55 : memref<1x1x1x40x125xi32, #tpu.memory_space<hbm>> -> memref<40x125xi32, #tpu.memory_space<hbm>>
        %dma_wait3A_57 = arith.constant 0 : i32
        %dma_wait3A_58 = arith.constant 0 : i32
        %dma_wait3A_59 = tpu.memref_slice %arg3[%scan3A_7, %arg0, %arg1, %dma_wait3A_57, %dma_wait3A_58] : memref<2x2x16x40x125xi32, #tpu.memory_space<hbm>> -> memref<1x1x1x40x125xi32, #tpu.memory_space<hbm>>
        %dma_wait3A_60 = tpu.memref_squeeze %dma_wait3A_59 : memref<1x1x1x40x125xi32, #tpu.memory_space<hbm>> -> memref<40x125xi32, #tpu.memory_space<hbm>>
        tpu.wait_dma2 semaphore(%run_scoped3A : memref<!tpu.dma_semaphore, #tpu.memory_space<semaphore_mem>>) src(%dma_wait3A_60 : memref<40x125xi32, #tpu.memory_space<hbm>>) dst(%arg8 : memref<40x125xi32, #tpu.memory_space<vmem>>)
        tpu.yield
      }) : () -> ()
      "tpu.region"() ({
        %run_scoped3A = tpu.sem_alloc : memref<!tpu.dma_semaphore, #tpu.memory_space<semaphore_mem>>
        %dma_start3A_45 = arith.constant 0 : i32
        %dma_start3A_46 = tpu.memref_slice %arg7[%mul3A_0, %dma_start3A_45] : memref<10240x128xf32, #tpu.memory_space<vmem_shared>> -> memref<640x128xf32, #tpu.memory_space<vmem_shared>>
        tpu.enqueue_dma source(%arg5 : memref<640x128xf32, #tpu.memory_space<hbm>>) target(%dma_start3A_46 : memref<640x128xf32, #tpu.memory_space<vmem_shared>>) target_semaphore(%run_scoped3A : memref<!tpu.dma_semaphore, #tpu.memory_space<semaphore_mem>>)
        %dma_wait3A_47 = arith.constant 0 : i32
        %dma_wait3A_48 = tpu.memref_slice %arg7[%mul3A_0, %dma_wait3A_47] : memref<10240x128xf32, #tpu.memory_space<vmem_shared>> -> memref<640x128xf32, #tpu.memory_space<vmem_shared>>
        tpu.wait_dma2 semaphore(%run_scoped3A : memref<!tpu.dma_semaphore, #tpu.memory_space<semaphore_mem>>) src(%arg5 : memref<640x128xf32, #tpu.memory_space<hbm>>) dst(%dma_wait3A_48 : memref<640x128xf32, #tpu.memory_space<vmem_shared>>)
        tpu.yield
      }) : () -> ()
      %barrier3A = arith.constant 0 : index
      tpu.barrier barrier_id(%barrier3A)
      %dma_start3A = arith.constant 0 : i32
      %dma_start3A_9 = arith.constant 0 : i32
      %dma_start3A_10 = tpu.memref_slice %arg8[%dma_start3A, %dma_start3A_9] : memref<40x125xi32, #tpu.memory_space<vmem>> -> memref<1x125xi32, #tpu.memory_space<vmem>>
      %dma_start3A_11 = tpu.memref_squeeze %dma_start3A_10 : memref<1x125xi32, #tpu.memory_space<vmem>> -> memref<125xi32, #tpu.memory_space<vmem>>
      %dma_start3A_12 = arith.constant 0 : i32
      %dma_start3A_13 = arith.constant 0 : i32
      %dma_start3A_14 = tpu.memref_slice %arg2[%dma_start3A_12, %dma_start3A_13] : memref<40960x128xf32, #tpu.memory_space<hbm>> -> memref<40960x128xf32, #tpu.memory_space<hbm>>
      tpu.enqueue_indirect_dma source(%dma_start3A_14 : memref<40960x128xf32, #tpu.memory_space<hbm>>) target(%arg10 : memref<125x128xf32, #tpu.memory_space<vmem>>) offsets(%dma_start3A_11 : memref<125xi32, #tpu.memory_space<vmem>>) semaphore(%arg12 : memref<!tpu.dma_semaphore, #tpu.memory_space<semaphore_mem>>)
      %dma_start3A_15 = arith.constant 1 : i32
      %dma_start3A_16 = arith.constant 0 : i32
      %dma_start3A_17 = tpu.memref_slice %arg8[%dma_start3A_15, %dma_start3A_16] : memref<40x125xi32, #tpu.memory_space<vmem>> -> memref<1x125xi32, #tpu.memory_space<vmem>>
      %dma_start3A_18 = tpu.memref_squeeze %dma_start3A_17 : memref<1x125xi32, #tpu.memory_space<vmem>> -> memref<125xi32, #tpu.memory_space<vmem>>
      %dma_start3A_19 = arith.constant 0 : i32
      %dma_start3A_20 = arith.constant 0 : i32
      %dma_start3A_21 = tpu.memref_slice %arg2[%dma_start3A_19, %dma_start3A_20] : memref<40960x128xf32, #tpu.memory_space<hbm>> -> memref<40960x128xf32, #tpu.memory_space<hbm>>
      tpu.enqueue_indirect_dma source(%dma_start3A_21 : memref<40960x128xf32, #tpu.memory_space<hbm>>) target(%arg11 : memref<125x128xf32, #tpu.memory_space<vmem>>) offsets(%dma_start3A_18 : memref<125xi32, #tpu.memory_space<vmem>>) semaphore(%arg13 : memref<!tpu.dma_semaphore, #tpu.memory_space<semaphore_mem>>)
      %scan3A_22 = arith.constant 0 : i32
      %scan3A_23 = arith.constant 0 : i32
      %scan3A_24 = arith.constant 20 : i32
      %scan3A_25 = arith.addi %scan3A_23, %scan3A_24 : i32
      %scan3A_26 = arith.constant 1 : i32
      %scan3A_27 = scf.for %scan3A_45 = %scan3A_23 to %scan3A_25 step %scan3A_26 iter_args(%scan3A_46 = %scan3A_22) -> (i32)  : i32 {
        %mul3A_47 = arith.constant 2 : i32
        %mul3A_48 = arith.muli %mul3A_47, %scan3A_45 : i32
        %mul3A_49 = arith.constant 2 : i32
        %mul3A_50 = arith.muli %mul3A_49, %scan3A_45 : i32
        %add3A = arith.constant 1 : i32
        %add3A_51 = arith.addi %mul3A_50, %add3A : i32
        %dma_wait3A_52 = arith.constant 0 : i32
        %dma_wait3A_53 = tpu.memref_slice %arg8[%mul3A_48, %dma_wait3A_52] : memref<40x125xi32, #tpu.memory_space<vmem>> -> memref<1x125xi32, #tpu.memory_space<vmem>>
        %dma_wait3A_54 = tpu.memref_squeeze %dma_wait3A_53 : memref<1x125xi32, #tpu.memory_space<vmem>> -> memref<125xi32, #tpu.memory_space<vmem>>
        %dma_wait3A_55 = arith.constant 0 : i32
        %dma_wait3A_56 = arith.constant 0 : i32
        %dma_wait3A_57 = tpu.memref_slice %arg2[%dma_wait3A_55, %dma_wait3A_56] : memref<40960x128xf32, #tpu.memory_space<hbm>> -> memref<40960x128xf32, #tpu.memory_space<hbm>>
        tpu.wait_indirect_dma semaphore(%arg12 : memref<!tpu.dma_semaphore, #tpu.memory_space<semaphore_mem>>) src(%dma_wait3A_57 : memref<40960x128xf32, #tpu.memory_space<hbm>>) dst(%arg10 : memref<125x128xf32, #tpu.memory_space<vmem>>)
        %dma_start3A_58 = arith.constant 0 : i32
        %dma_start3A_59 = tpu.memref_slice %arg9[%mul3A_48, %dma_start3A_58] : memref<40x125xi32, #tpu.memory_space<vmem>> -> memref<1x125xi32, #tpu.memory_space<vmem>>
        %dma_start3A_60 = tpu.memref_squeeze %dma_start3A_59 : memref<1x125xi32, #tpu.memory_space<vmem>> -> memref<125xi32, #tpu.memory_space<vmem>>
        %dma_start3A_61 = arith.constant 0 : i32
        %dma_start3A_62 = arith.constant 0 : i32
        %dma_start3A_63 = tpu.memref_slice %arg7[%dma_start3A_61, %dma_start3A_62] : memref<10240x128xf32, #tpu.memory_space<vmem_shared>> -> memref<10240x128xf32, #tpu.memory_space<vmem_shared>>
        tpu.enqueue_indirect_dma source(%arg10 : memref<125x128xf32, #tpu.memory_space<vmem>>) target(%dma_start3A_63 : memref<10240x128xf32, #tpu.memory_space<vmem_shared>>) offsets(%dma_start3A_60 : memref<125xi32, #tpu.memory_space<vmem>>) semaphore(%arg14 : memref<!tpu.dma_semaphore, #tpu.memory_space<semaphore_mem>>) {add = true}
        %dma_wait3A_64 = arith.constant 0 : i32
        %dma_wait3A_65 = tpu.memref_slice %arg8[%add3A_51, %dma_wait3A_64] : memref<40x125xi32, #tpu.memory_space<vmem>> -> memref<1x125xi32, #tpu.memory_space<vmem>>
        %dma_wait3A_66 = tpu.memref_squeeze %dma_wait3A_65 : memref<1x125xi32, #tpu.memory_space<vmem>> -> memref<125xi32, #tpu.memory_space<vmem>>
        %dma_wait3A_67 = arith.constant 0 : i32
        %dma_wait3A_68 = arith.constant 0 : i32
        %dma_wait3A_69 = tpu.memref_slice %arg2[%dma_wait3A_67, %dma_wait3A_68] : memref<40960x128xf32, #tpu.memory_space<hbm>> -> memref<40960x128xf32, #tpu.memory_space<hbm>>
        tpu.wait_indirect_dma semaphore(%arg13 : memref<!tpu.dma_semaphore, #tpu.memory_space<semaphore_mem>>) src(%dma_wait3A_69 : memref<40960x128xf32, #tpu.memory_space<hbm>>) dst(%arg11 : memref<125x128xf32, #tpu.memory_space<vmem>>)
        %dma_start3A_70 = arith.constant 0 : i32
        %dma_start3A_71 = tpu.memref_slice %arg9[%add3A_51, %dma_start3A_70] : memref<40x125xi32, #tpu.memory_space<vmem>> -> memref<1x125xi32, #tpu.memory_space<vmem>>
        %dma_start3A_72 = tpu.memref_squeeze %dma_start3A_71 : memref<1x125xi32, #tpu.memory_space<vmem>> -> memref<125xi32, #tpu.memory_space<vmem>>
        %dma_start3A_73 = arith.constant 0 : i32
        %dma_start3A_74 = arith.constant 0 : i32
        %dma_start3A_75 = tpu.memref_slice %arg7[%dma_start3A_73, %dma_start3A_74] : memref<10240x128xf32, #tpu.memory_space<vmem_shared>> -> memref<10240x128xf32, #tpu.memory_space<vmem_shared>>
        tpu.enqueue_indirect_dma source(%arg11 : memref<125x128xf32, #tpu.memory_space<vmem>>) target(%dma_start3A_75 : memref<10240x128xf32, #tpu.memory_space<vmem_shared>>) offsets(%dma_start3A_72 : memref<125xi32, #tpu.memory_space<vmem>>) semaphore(%arg15 : memref<!tpu.dma_semaphore, #tpu.memory_space<semaphore_mem>>) {add = true}
        %lt3A = arith.constant 19 : i32
        %lt3A_76 = arith.cmpi slt, %scan3A_45, %lt3A : i32
        %convert_element_type3A = arith.extui %lt3A_76 : i1 to i32
        %cond3A = arith.constant 0 : i32
        %cond3A_77 = arith.cmpi ne, %convert_element_type3A, %cond3A : i32
        scf.if %cond3A_77 {
          %dma_wait3A_79 = arith.constant 0 : i32
          %dma_wait3A_80 = tpu.memref_slice %arg9[%mul3A_48, %dma_wait3A_79] : memref<40x125xi32, #tpu.memory_space<vmem>> -> memref<1x125xi32, #tpu.memory_space<vmem>>
          %dma_wait3A_81 = tpu.memref_squeeze %dma_wait3A_80 : memref<1x125xi32, #tpu.memory_space<vmem>> -> memref<125xi32, #tpu.memory_space<vmem>>
          %dma_wait3A_82 = arith.constant 0 : i32
          %dma_wait3A_83 = arith.constant 0 : i32
          %dma_wait3A_84 = tpu.memref_slice %arg7[%dma_wait3A_82, %dma_wait3A_83] : memref<10240x128xf32, #tpu.memory_space<vmem_shared>> -> memref<10240x128xf32, #tpu.memory_space<vmem_shared>>
          tpu.wait_indirect_dma semaphore(%arg14 : memref<!tpu.dma_semaphore, #tpu.memory_space<semaphore_mem>>) src(%arg10 : memref<125x128xf32, #tpu.memory_space<vmem>>) dst(%dma_wait3A_84 : memref<10240x128xf32, #tpu.memory_space<vmem_shared>>)
          %add3A_85 = arith.constant 2 : i32
          %add3A_86 = arith.addi %mul3A_48, %add3A_85 : i32
          %dma_start3A_87 = arith.constant 0 : i32
          %dma_start3A_88 = tpu.memref_slice %arg8[%add3A_86, %dma_start3A_87] : memref<40x125xi32, #tpu.memory_space<vmem>> -> memref<1x125xi32, #tpu.memory_space<vmem>>
          %dma_start3A_89 = tpu.memref_squeeze %dma_start3A_88 : memref<1x125xi32, #tpu.memory_space<vmem>> -> memref<125xi32, #tpu.memory_space<vmem>>
          %dma_start3A_90 = arith.constant 0 : i32
          %dma_start3A_91 = arith.constant 0 : i32
          %dma_start3A_92 = tpu.memref_slice %arg2[%dma_start3A_90, %dma_start3A_91] : memref<40960x128xf32, #tpu.memory_space<hbm>> -> memref<40960x128xf32, #tpu.memory_space<hbm>>
          tpu.enqueue_indirect_dma source(%dma_start3A_92 : memref<40960x128xf32, #tpu.memory_space<hbm>>) target(%arg10 : memref<125x128xf32, #tpu.memory_space<vmem>>) offsets(%dma_start3A_89 : memref<125xi32, #tpu.memory_space<vmem>>) semaphore(%arg12 : memref<!tpu.dma_semaphore, #tpu.memory_space<semaphore_mem>>)
          %dma_wait3A_93 = arith.constant 0 : i32
          %dma_wait3A_94 = tpu.memref_slice %arg9[%add3A_51, %dma_wait3A_93] : memref<40x125xi32, #tpu.memory_space<vmem>> -> memref<1x125xi32, #tpu.memory_space<vmem>>
          %dma_wait3A_95 = tpu.memref_squeeze %dma_wait3A_94 : memref<1x125xi32, #tpu.memory_space<vmem>> -> memref<125xi32, #tpu.memory_space<vmem>>
          %dma_wait3A_96 = arith.constant 0 : i32
          %dma_wait3A_97 = arith.constant 0 : i32
          %dma_wait3A_98 = tpu.memref_slice %arg7[%dma_wait3A_96, %dma_wait3A_97] : memref<10240x128xf32, #tpu.memory_space<vmem_shared>> -> memref<10240x128xf32, #tpu.memory_space<vmem_shared>>
          tpu.wait_indirect_dma semaphore(%arg15 : memref<!tpu.dma_semaphore, #tpu.memory_space<semaphore_mem>>) src(%arg11 : memref<125x128xf32, #tpu.memory_space<vmem>>) dst(%dma_wait3A_98 : memref<10240x128xf32, #tpu.memory_space<vmem_shared>>)
          %add3A_99 = arith.constant 2 : i32
          %add3A_100 = arith.addi %add3A_51, %add3A_99 : i32
          %dma_start3A_101 = arith.constant 0 : i32
          %dma_start3A_102 = tpu.memref_slice %arg8[%add3A_100, %dma_start3A_101] : memref<40x125xi32, #tpu.memory_space<vmem>> -> memref<1x125xi32, #tpu.memory_space<vmem>>
          %dma_start3A_103 = tpu.memref_squeeze %dma_start3A_102 : memref<1x125xi32, #tpu.memory_space<vmem>> -> memref<125xi32, #tpu.memory_space<vmem>>
          %dma_start3A_104 = arith.constant 0 : i32
          %dma_start3A_105 = arith.constant 0 : i32
          %dma_start3A_106 = tpu.memref_slice %arg2[%dma_start3A_104, %dma_start3A_105] : memref<40960x128xf32, #tpu.memory_space<hbm>> -> memref<40960x128xf32, #tpu.memory_space<hbm>>
          tpu.enqueue_indirect_dma source(%dma_start3A_106 : memref<40960x128xf32, #tpu.memory_space<hbm>>) target(%arg11 : memref<125x128xf32, #tpu.memory_space<vmem>>) offsets(%dma_start3A_103 : memref<125xi32, #tpu.memory_space<vmem>>) semaphore(%arg13 : memref<!tpu.dma_semaphore, #tpu.memory_space<semaphore_mem>>)
        } else {
        }
        %scan3A_78 = arith.constant 0 : i32
        scf.yield %scan3A_78 : i32
      }
      %scan3A_28 = arith.constant 20 : i32
      %dma_wait3A = arith.constant 38 : i32
      %dma_wait3A_29 = arith.constant 0 : i32
      %dma_wait3A_30 = tpu.memref_slice %arg9[%dma_wait3A, %dma_wait3A_29] : memref<40x125xi32, #tpu.memory_space<vmem>> -> memref<1x125xi32, #tpu.memory_space<vmem>>
      %dma_wait3A_31 = tpu.memref_squeeze %dma_wait3A_30 : memref<1x125xi32, #tpu.memory_space<vmem>> -> memref<125xi32, #tpu.memory_space<vmem>>
      %dma_wait3A_32 = arith.constant 0 : i32
      %dma_wait3A_33 = arith.constant 0 : i32
      %dma_wait3A_34 = tpu.memref_slice %arg7[%dma_wait3A_32, %dma_wait3A_33] : memref<10240x128xf32, #tpu.memory_space<vmem_shared>> -> memref<10240x128xf32, #tpu.memory_space<vmem_shared>>
      tpu.wait_indirect_dma semaphore(%arg14 : memref<!tpu.dma_semaphore, #tpu.memory_space<semaphore_mem>>) src(%arg10 : memref<125x128xf32, #tpu.memory_space<vmem>>) dst(%dma_wait3A_34 : memref<10240x128xf32, #tpu.memory_space<vmem_shared>>)
      %dma_wait3A_35 = arith.constant 39 : i32
      %dma_wait3A_36 = arith.constant 0 : i32
      %dma_wait3A_37 = tpu.memref_slice %arg9[%dma_wait3A_35, %dma_wait3A_36] : memref<40x125xi32, #tpu.memory_space<vmem>> -> memref<1x125xi32, #tpu.memory_space<vmem>>
      %dma_wait3A_38 = tpu.memref_squeeze %dma_wait3A_37 : memref<1x125xi32, #tpu.memory_space<vmem>> -> memref<125xi32, #tpu.memory_space<vmem>>
      %dma_wait3A_39 = arith.constant 0 : i32
      %dma_wait3A_40 = arith.constant 0 : i32
      %dma_wait3A_41 = tpu.memref_slice %arg7[%dma_wait3A_39, %dma_wait3A_40] : memref<10240x128xf32, #tpu.memory_space<vmem_shared>> -> memref<10240x128xf32, #tpu.memory_space<vmem_shared>>
      tpu.wait_indirect_dma semaphore(%arg15 : memref<!tpu.dma_semaphore, #tpu.memory_space<semaphore_mem>>) src(%arg11 : memref<125x128xf32, #tpu.memory_space<vmem>>) dst(%dma_wait3A_41 : memref<10240x128xf32, #tpu.memory_space<vmem_shared>>)
      %barrier3A_42 = arith.constant 0 : index
      tpu.barrier barrier_id(%barrier3A_42)
      "tpu.region"() ({
        %run_scoped3A = tpu.sem_alloc : memref<!tpu.dma_semaphore, #tpu.memory_space<semaphore_mem>>
        %dma_start3A_45 = arith.constant 0 : i32
        %dma_start3A_46 = tpu.memref_slice %arg6[%arg0, %scan3A_7, %mul3A_0, %dma_start3A_45] : memref<2x2x10240x128xf32, #tpu.memory_space<hbm>> -> memref<1x1x640x128xf32, #tpu.memory_space<hbm>>
        %dma_start3A_47 = tpu.memref_squeeze %dma_start3A_46 : memref<1x1x640x128xf32, #tpu.memory_space<hbm>> -> memref<640x128xf32, #tpu.memory_space<hbm>>
        %dma_start3A_48 = arith.constant 0 : i32
        %dma_start3A_49 = tpu.memref_slice %arg7[%mul3A_0, %dma_start3A_48] : memref<10240x128xf32, #tpu.memory_space<vmem_shared>> -> memref<640x128xf32, #tpu.memory_space<vmem_shared>>
        tpu.enqueue_dma source(%dma_start3A_49 : memref<640x128xf32, #tpu.memory_space<vmem_shared>>) target(%dma_start3A_47 : memref<640x128xf32, #tpu.memory_space<hbm>>) target_semaphore(%run_scoped3A : memref<!tpu.dma_semaphore, #tpu.memory_space<semaphore_mem>>)
        %dma_wait3A_50 = arith.constant 0 : i32
        %dma_wait3A_51 = tpu.memref_slice %arg6[%arg0, %scan3A_7, %mul3A_0, %dma_wait3A_50] : memref<2x2x10240x128xf32, #tpu.memory_space<hbm>> -> memref<1x1x640x128xf32, #tpu.memory_space<hbm>>
        %dma_wait3A_52 = tpu.memref_squeeze %dma_wait3A_51 : memref<1x1x640x128xf32, #tpu.memory_space<hbm>> -> memref<640x128xf32, #tpu.memory_space<hbm>>
        %dma_wait3A_53 = arith.constant 0 : i32
        %dma_wait3A_54 = tpu.memref_slice %arg7[%mul3A_0, %dma_wait3A_53] : memref<10240x128xf32, #tpu.memory_space<vmem_shared>> -> memref<640x128xf32, #tpu.memory_space<vmem_shared>>
        tpu.wait_dma2 semaphore(%run_scoped3A : memref<!tpu.dma_semaphore, #tpu.memory_space<semaphore_mem>>) src(%dma_wait3A_54 : memref<640x128xf32, #tpu.memory_space<vmem_shared>>) dst(%dma_wait3A_52 : memref<640x128xf32, #tpu.memory_space<hbm>>)
        tpu.yield
      }) : () -> ()
      %barrier3A_43 = arith.constant 0 : index
      tpu.barrier barrier_id(%barrier3A_43)
      %scan3A_44 = arith.constant 0 : i32
      scf.yield %scan3A_44 : i32
    }
    %scan3A_6 = arith.constant 2 : i32
    return
  }
}

#map = affine_map<(d0, d1) -> (0, 0)>
#map1 = affine_map<(d0, d1) -> (0, 0, 0, 0, 0)>
#map2 = affine_map<(d0, d1) -> (0, 0, 0, 0)>
module attributes {stable_mosaic.version = 14 : i64} {
  func.func @body(%arg0: i32, %arg1: i32, %arg2: memref<30720x128xf32, #tpu.memory_space<hbm>>, %arg3: memref<3x2x16x40x125xi32, #tpu.memory_space<hbm>>, %arg4: memref<2x16x40x125xi32, #tpu.memory_space<hbm>>, %arg5: memref<640x128xf32, #tpu.memory_space<hbm>>, %arg6: memref<2x3x10240x128xf32, #tpu.memory_space<hbm>>, %arg7: memref<10240x128xf32, #tpu.memory_space<vmem_shared>>, %arg8: memref<40x125xi32, #tpu.memory_space<vmem>>, %arg9: memref<40x125xi32, #tpu.memory_space<vmem>>, %arg10: memref<125x128xf32, #tpu.memory_space<vmem>>, %arg11: memref<125x128xf32, #tpu.memory_space<vmem>>, %arg12: memref<!tpu.dma_semaphore, #tpu.memory_space<semaphore_mem>>, %arg13: memref<!tpu.dma_semaphore, #tpu.memory_space<semaphore_mem>>, %arg14: memref<!tpu.dma_semaphore, #tpu.memory_space<semaphore_mem>>, %arg15: memref<!tpu.dma_semaphore, #tpu.memory_space<semaphore_mem>>) attributes {dimension_semantics = [#tpu.dimension_semantics<core_parallel>, #tpu.dimension_semantics<subcore_parallel>], iteration_bounds = array<i64: 2, 16>, scalar_prefetch = 0 : i64, scratch_operands = 9 : i64, tpu.core_type = #tpu.core_type<sc_vector_subcore>, window_params = [{transform_indices = #map}, {transform_indices = #map1}, {transform_indices = #map2}, {transform_indices = #map}, {transform_indices = #map2}]} {
    %mul3A = arith.constant 640 : i32
    %mul3A_0 = arith.muli %arg1, %mul3A : i32
    "tpu.region"() ({
      %run_scoped3A = tpu.sem_alloc : memref<!tpu.dma_semaphore, #tpu.memory_space<semaphore_mem>>
      %dma_start3A = arith.constant 0 : i32
      %dma_start3A_7 = arith.constant 0 : i32
      %dma_start3A_8 = tpu.memref_slice %arg4[%arg0, %arg1, %dma_start3A, %dma_start3A_7] : memref<2x16x40x125xi32, #tpu.memory_space<hbm>> -> memref<1x1x40x125xi32, #tpu.memory_space<hbm>>
      %dma_start3A_9 = tpu.memref_squeeze %dma_start3A_8 : memref<1x1x40x125xi32, #tpu.memory_space<hbm>> -> memref<40x125xi32, #tpu.memory_space<hbm>>
      %dma_start3A_10 = arith.constant 0 : i32
      %dma_start3A_11 = arith.constant 0 : i32
      %dma_start3A_12 = tpu.memref_slice %arg4[%arg0, %arg1, %dma_start3A_10, %dma_start3A_11] : memref<2x16x40x125xi32, #tpu.memory_space<hbm>> -> memref<1x1x40x125xi32, #tpu.memory_space<hbm>>
      %dma_start3A_13 = tpu.memref_squeeze %dma_start3A_12 : memref<1x1x40x125xi32, #tpu.memory_space<hbm>> -> memref<40x125xi32, #tpu.memory_space<hbm>>
      tpu.enqueue_dma source(%dma_start3A_13 : memref<40x125xi32, #tpu.memory_space<hbm>>) target(%arg9 : memref<40x125xi32, #tpu.memory_space<vmem>>) target_semaphore(%run_scoped3A : memref<!tpu.dma_semaphore, #tpu.memory_space<semaphore_mem>>)
      %dma_wait3A = arith.constant 0 : i32
      %dma_wait3A_14 = arith.constant 0 : i32
      %dma_wait3A_15 = tpu.memref_slice %arg4[%arg0, %arg1, %dma_wait3A, %dma_wait3A_14] : memref<2x16x40x125xi32, #tpu.memory_space<hbm>> -> memref<1x1x40x125xi32, #tpu.memory_space<hbm>>
      %dma_wait3A_16 = tpu.memref_squeeze %dma_wait3A_15 : memref<1x1x40x125xi32, #tpu.memory_space<hbm>> -> memref<40x125xi32, #tpu.memory_space<hbm>>
      %dma_wait3A_17 = arith.constant 0 : i32
      %dma_wait3A_18 = arith.constant 0 : i32
      %dma_wait3A_19 = tpu.memref_slice %arg4[%arg0, %arg1, %dma_wait3A_17, %dma_wait3A_18] : memref<2x16x40x125xi32, #tpu.memory_space<hbm>> -> memref<1x1x40x125xi32, #tpu.memory_space<hbm>>
      %dma_wait3A_20 = tpu.memref_squeeze %dma_wait3A_19 : memref<1x1x40x125xi32, #tpu.memory_space<hbm>> -> memref<40x125xi32, #tpu.memory_space<hbm>>
      tpu.wait_dma2 semaphore(%run_scoped3A : memref<!tpu.dma_semaphore, #tpu.memory_space<semaphore_mem>>) src(%dma_wait3A_20 : memref<40x125xi32, #tpu.memory_space<hbm>>) dst(%arg9 : memref<40x125xi32, #tpu.memory_space<vmem>>)
      tpu.yield
    }) : () -> ()
    %scan3A = arith.constant 0 : i32
    %scan3A_1 = arith.constant 0 : i32
    %scan3A_2 = arith.constant 3 : i32
    %scan3A_3 = arith.addi %scan3A_1, %scan3A_2 : i32
    %scan3A_4 = arith.constant 1 : i32
    %scan3A_5 = scf.for %scan3A_7 = %scan3A_1 to %scan3A_3 step %scan3A_4 iter_args(%scan3A_8 = %scan3A) -> (i32)  : i32 {
      "tpu.region"() ({
        %run_scoped3A = tpu.sem_alloc : memref<!tpu.dma_semaphore, #tpu.memory_space<semaphore_mem>>
        %dma_start3A_45 = arith.constant 0 : i32
        %dma_start3A_46 = arith.constant 0 : i32
        %dma_start3A_47 = tpu.memref_slice %arg3[%scan3A_7, %arg0, %arg1, %dma_start3A_45, %dma_start3A_46] : memref<3x2x16x40x125xi32, #tpu.memory_space<hbm>> -> memref<1x1x1x40x125xi32, #tpu.memory_space<hbm>>
        %dma_start3A_48 = tpu.memref_squeeze %dma_start3A_47 : memref<1x1x1x40x125xi32, #tpu.memory_space<hbm>> -> memref<40x125xi32, #tpu.memory_space<hbm>>
        %dma_start3A_49 = arith.constant 0 : i32
        %dma_start3A_50 = arith.constant 0 : i32
        %dma_start3A_51 = tpu.memref_slice %arg3[%scan3A_7, %arg0, %arg1, %dma_start3A_49, %dma_start3A_50] : memref<3x2x16x40x125xi32, #tpu.memory_space<hbm>> -> memref<1x1x1x40x125xi32, #tpu.memory_space<hbm>>
        %dma_start3A_52 = tpu.memref_squeeze %dma_start3A_51 : memref<1x1x1x40x125xi32, #tpu.memory_space<hbm>> -> memref<40x125xi32, #tpu.memory_space<hbm>>
        tpu.enqueue_dma source(%dma_start3A_52 : memref<40x125xi32, #tpu.memory_space<hbm>>) target(%arg8 : memref<40x125xi32, #tpu.memory_space<vmem>>) target_semaphore(%run_scoped3A : memref<!tpu.dma_semaphore, #tpu.memory_space<semaphore_mem>>)
        %dma_wait3A_53 = arith.constant 0 : i32
        %dma_wait3A_54 = arith.constant 0 : i32
        %dma_wait3A_55 = tpu.memref_slice %arg3[%scan3A_7, %arg0, %arg1, %dma_wait3A_53, %dma_wait3A_54] : memref<3x2x16x40x125xi32, #tpu.memory_space<hbm>> -> memref<1x1x1x40x125xi32, #tpu.memory_space<hbm>>
        %dma_wait3A_56 = tpu.memref_squeeze %dma_wait3A_55 : memref<1x1x1x40x125xi32, #tpu.memory_space<hbm>> -> memref<40x125xi32, #tpu.memory_space<hbm>>
        %dma_wait3A_57 = arith.constant 0 : i32
        %dma_wait3A_58 = arith.constant 0 : i32
        %dma_wait3A_59 = tpu.memref_slice %arg3[%scan3A_7, %arg0, %arg1, %dma_wait3A_57, %dma_wait3A_58] : memref<3x2x16x40x125xi32, #tpu.memory_space<hbm>> -> memref<1x1x1x40x125xi32, #tpu.memory_space<hbm>>
        %dma_wait3A_60 = tpu.memref_squeeze %dma_wait3A_59 : memref<1x1x1x40x125xi32, #tpu.memory_space<hbm>> -> memref<40x125xi32, #tpu.memory_space<hbm>>
        tpu.wait_dma2 semaphore(%run_scoped3A : memref<!tpu.dma_semaphore, #tpu.memory_space<semaphore_mem>>) src(%dma_wait3A_60 : memref<40x125xi32, #tpu.memory_space<hbm>>) dst(%arg8 : memref<40x125xi32, #tpu.memory_space<vmem>>)
        tpu.yield
      }) : () -> ()
      "tpu.region"() ({
        %run_scoped3A = tpu.sem_alloc : memref<!tpu.dma_semaphore, #tpu.memory_space<semaphore_mem>>
        %dma_start3A_45 = arith.constant 0 : i32
        %dma_start3A_46 = tpu.memref_slice %arg7[%mul3A_0, %dma_start3A_45] : memref<10240x128xf32, #tpu.memory_space<vmem_shared>> -> memref<640x128xf32, #tpu.memory_space<vmem_shared>>
        tpu.enqueue_dma source(%arg5 : memref<640x128xf32, #tpu.memory_space<hbm>>) target(%dma_start3A_46 : memref<640x128xf32, #tpu.memory_space<vmem_shared>>) target_semaphore(%run_scoped3A : memref<!tpu.dma_semaphore, #tpu.memory_space<semaphore_mem>>)
        %dma_wait3A_47 = arith.constant 0 : i32
        %dma_wait3A_48 = tpu.memref_slice %arg7[%mul3A_0, %dma_wait3A_47] : memref<10240x128xf32, #tpu.memory_space<vmem_shared>> -> memref<640x128xf32, #tpu.memory_space<vmem_shared>>
        tpu.wait_dma2 semaphore(%run_scoped3A : memref<!tpu.dma_semaphore, #tpu.memory_space<semaphore_mem>>) src(%arg5 : memref<640x128xf32, #tpu.memory_space<hbm>>) dst(%dma_wait3A_48 : memref<640x128xf32, #tpu.memory_space<vmem_shared>>)
        tpu.yield
      }) : () -> ()
      %barrier3A = arith.constant 0 : index
      tpu.barrier barrier_id(%barrier3A)
      %dma_start3A = arith.constant 0 : i32
      %dma_start3A_9 = arith.constant 0 : i32
      %dma_start3A_10 = tpu.memref_slice %arg8[%dma_start3A, %dma_start3A_9] : memref<40x125xi32, #tpu.memory_space<vmem>> -> memref<1x125xi32, #tpu.memory_space<vmem>>
      %dma_start3A_11 = tpu.memref_squeeze %dma_start3A_10 : memref<1x125xi32, #tpu.memory_space<vmem>> -> memref<125xi32, #tpu.memory_space<vmem>>
      %dma_start3A_12 = arith.constant 0 : i32
      %dma_start3A_13 = arith.constant 0 : i32
      %dma_start3A_14 = tpu.memref_slice %arg2[%dma_start3A_12, %dma_start3A_13] : memref<30720x128xf32, #tpu.memory_space<hbm>> -> memref<30720x128xf32, #tpu.memory_space<hbm>>
      tpu.enqueue_indirect_dma source(%dma_start3A_14 : memref<30720x128xf32, #tpu.memory_space<hbm>>) target(%arg10 : memref<125x128xf32, #tpu.memory_space<vmem>>) offsets(%dma_start3A_11 : memref<125xi32, #tpu.memory_space<vmem>>) semaphore(%arg12 : memref<!tpu.dma_semaphore, #tpu.memory_space<semaphore_mem>>)
      %dma_start3A_15 = arith.constant 1 : i32
      %dma_start3A_16 = arith.constant 0 : i32
      %dma_start3A_17 = tpu.memref_slice %arg8[%dma_start3A_15, %dma_start3A_16] : memref<40x125xi32, #tpu.memory_space<vmem>> -> memref<1x125xi32, #tpu.memory_space<vmem>>
      %dma_start3A_18 = tpu.memref_squeeze %dma_start3A_17 : memref<1x125xi32, #tpu.memory_space<vmem>> -> memref<125xi32, #tpu.memory_space<vmem>>
      %dma_start3A_19 = arith.constant 0 : i32
      %dma_start3A_20 = arith.constant 0 : i32
      %dma_start3A_21 = tpu.memref_slice %arg2[%dma_start3A_19, %dma_start3A_20] : memref<30720x128xf32, #tpu.memory_space<hbm>> -> memref<30720x128xf32, #tpu.memory_space<hbm>>
      tpu.enqueue_indirect_dma source(%dma_start3A_21 : memref<30720x128xf32, #tpu.memory_space<hbm>>) target(%arg11 : memref<125x128xf32, #tpu.memory_space<vmem>>) offsets(%dma_start3A_18 : memref<125xi32, #tpu.memory_space<vmem>>) semaphore(%arg13 : memref<!tpu.dma_semaphore, #tpu.memory_space<semaphore_mem>>)
      %scan3A_22 = arith.constant 0 : i32
      %scan3A_23 = arith.constant 0 : i32
      %scan3A_24 = arith.constant 20 : i32
      %scan3A_25 = arith.addi %scan3A_23, %scan3A_24 : i32
      %scan3A_26 = arith.constant 1 : i32
      %scan3A_27 = scf.for %scan3A_45 = %scan3A_23 to %scan3A_25 step %scan3A_26 iter_args(%scan3A_46 = %scan3A_22) -> (i32)  : i32 {
        %mul3A_47 = arith.constant 2 : i32
        %mul3A_48 = arith.muli %mul3A_47, %scan3A_45 : i32
        %mul3A_49 = arith.constant 2 : i32
        %mul3A_50 = arith.muli %mul3A_49, %scan3A_45 : i32
        %add3A = arith.constant 1 : i32
        %add3A_51 = arith.addi %mul3A_50, %add3A : i32
        %dma_wait3A_52 = arith.constant 0 : i32
        %dma_wait3A_53 = tpu.memref_slice %arg8[%mul3A_48, %dma_wait3A_52] : memref<40x125xi32, #tpu.memory_space<vmem>> -> memref<1x125xi32, #tpu.memory_space<vmem>>
        %dma_wait3A_54 = tpu.memref_squeeze %dma_wait3A_53 : memref<1x125xi32, #tpu.memory_space<vmem>> -> memref<125xi32, #tpu.memory_space<vmem>>
        %dma_wait3A_55 = arith.constant 0 : i32
        %dma_wait3A_56 = arith.constant 0 : i32
        %dma_wait3A_57 = tpu.memref_slice %arg2[%dma_wait3A_55, %dma_wait3A_56] : memref<30720x128xf32, #tpu.memory_space<hbm>> -> memref<30720x128xf32, #tpu.memory_space<hbm>>
        tpu.wait_indirect_dma semaphore(%arg12 : memref<!tpu.dma_semaphore, #tpu.memory_space<semaphore_mem>>) src(%dma_wait3A_57 : memref<30720x128xf32, #tpu.memory_space<hbm>>) dst(%arg10 : memref<125x128xf32, #tpu.memory_space<vmem>>)
        %dma_start3A_58 = arith.constant 0 : i32
        %dma_start3A_59 = tpu.memref_slice %arg9[%mul3A_48, %dma_start3A_58] : memref<40x125xi32, #tpu.memory_space<vmem>> -> memref<1x125xi32, #tpu.memory_space<vmem>>
        %dma_start3A_60 = tpu.memref_squeeze %dma_start3A_59 : memref<1x125xi32, #tpu.memory_space<vmem>> -> memref<125xi32, #tpu.memory_space<vmem>>
        %dma_start3A_61 = arith.constant 0 : i32
        %dma_start3A_62 = arith.constant 0 : i32
        %dma_start3A_63 = tpu.memref_slice %arg7[%dma_start3A_61, %dma_start3A_62] : memref<10240x128xf32, #tpu.memory_space<vmem_shared>> -> memref<10240x128xf32, #tpu.memory_space<vmem_shared>>
        tpu.enqueue_indirect_dma source(%arg10 : memref<125x128xf32, #tpu.memory_space<vmem>>) target(%dma_start3A_63 : memref<10240x128xf32, #tpu.memory_space<vmem_shared>>) offsets(%dma_start3A_60 : memref<125xi32, #tpu.memory_space<vmem>>) semaphore(%arg14 : memref<!tpu.dma_semaphore, #tpu.memory_space<semaphore_mem>>) {add = true}
        %dma_wait3A_64 = arith.constant 0 : i32
        %dma_wait3A_65 = tpu.memref_slice %arg8[%add3A_51, %dma_wait3A_64] : memref<40x125xi32, #tpu.memory_space<vmem>> -> memref<1x125xi32, #tpu.memory_space<vmem>>
        %dma_wait3A_66 = tpu.memref_squeeze %dma_wait3A_65 : memref<1x125xi32, #tpu.memory_space<vmem>> -> memref<125xi32, #tpu.memory_space<vmem>>
        %dma_wait3A_67 = arith.constant 0 : i32
        %dma_wait3A_68 = arith.constant 0 : i32
        %dma_wait3A_69 = tpu.memref_slice %arg2[%dma_wait3A_67, %dma_wait3A_68] : memref<30720x128xf32, #tpu.memory_space<hbm>> -> memref<30720x128xf32, #tpu.memory_space<hbm>>
        tpu.wait_indirect_dma semaphore(%arg13 : memref<!tpu.dma_semaphore, #tpu.memory_space<semaphore_mem>>) src(%dma_wait3A_69 : memref<30720x128xf32, #tpu.memory_space<hbm>>) dst(%arg11 : memref<125x128xf32, #tpu.memory_space<vmem>>)
        %dma_start3A_70 = arith.constant 0 : i32
        %dma_start3A_71 = tpu.memref_slice %arg9[%add3A_51, %dma_start3A_70] : memref<40x125xi32, #tpu.memory_space<vmem>> -> memref<1x125xi32, #tpu.memory_space<vmem>>
        %dma_start3A_72 = tpu.memref_squeeze %dma_start3A_71 : memref<1x125xi32, #tpu.memory_space<vmem>> -> memref<125xi32, #tpu.memory_space<vmem>>
        %dma_start3A_73 = arith.constant 0 : i32
        %dma_start3A_74 = arith.constant 0 : i32
        %dma_start3A_75 = tpu.memref_slice %arg7[%dma_start3A_73, %dma_start3A_74] : memref<10240x128xf32, #tpu.memory_space<vmem_shared>> -> memref<10240x128xf32, #tpu.memory_space<vmem_shared>>
        tpu.enqueue_indirect_dma source(%arg11 : memref<125x128xf32, #tpu.memory_space<vmem>>) target(%dma_start3A_75 : memref<10240x128xf32, #tpu.memory_space<vmem_shared>>) offsets(%dma_start3A_72 : memref<125xi32, #tpu.memory_space<vmem>>) semaphore(%arg15 : memref<!tpu.dma_semaphore, #tpu.memory_space<semaphore_mem>>) {add = true}
        %lt3A = arith.constant 19 : i32
        %lt3A_76 = arith.cmpi slt, %scan3A_45, %lt3A : i32
        %convert_element_type3A = arith.extui %lt3A_76 : i1 to i32
        %cond3A = arith.constant 0 : i32
        %cond3A_77 = arith.cmpi ne, %convert_element_type3A, %cond3A : i32
        scf.if %cond3A_77 {
          %dma_wait3A_79 = arith.constant 0 : i32
          %dma_wait3A_80 = tpu.memref_slice %arg9[%mul3A_48, %dma_wait3A_79] : memref<40x125xi32, #tpu.memory_space<vmem>> -> memref<1x125xi32, #tpu.memory_space<vmem>>
          %dma_wait3A_81 = tpu.memref_squeeze %dma_wait3A_80 : memref<1x125xi32, #tpu.memory_space<vmem>> -> memref<125xi32, #tpu.memory_space<vmem>>
          %dma_wait3A_82 = arith.constant 0 : i32
          %dma_wait3A_83 = arith.constant 0 : i32
          %dma_wait3A_84 = tpu.memref_slice %arg7[%dma_wait3A_82, %dma_wait3A_83] : memref<10240x128xf32, #tpu.memory_space<vmem_shared>> -> memref<10240x128xf32, #tpu.memory_space<vmem_shared>>
          tpu.wait_indirect_dma semaphore(%arg14 : memref<!tpu.dma_semaphore, #tpu.memory_space<semaphore_mem>>) src(%arg10 : memref<125x128xf32, #tpu.memory_space<vmem>>) dst(%dma_wait3A_84 : memref<10240x128xf32, #tpu.memory_space<vmem_shared>>)
          %add3A_85 = arith.constant 2 : i32
          %add3A_86 = arith.addi %mul3A_48, %add3A_85 : i32
          %dma_start3A_87 = arith.constant 0 : i32
          %dma_start3A_88 = tpu.memref_slice %arg8[%add3A_86, %dma_start3A_87] : memref<40x125xi32, #tpu.memory_space<vmem>> -> memref<1x125xi32, #tpu.memory_space<vmem>>
          %dma_start3A_89 = tpu.memref_squeeze %dma_start3A_88 : memref<1x125xi32, #tpu.memory_space<vmem>> -> memref<125xi32, #tpu.memory_space<vmem>>
          %dma_start3A_90 = arith.constant 0 : i32
          %dma_start3A_91 = arith.constant 0 : i32
          %dma_start3A_92 = tpu.memref_slice %arg2[%dma_start3A_90, %dma_start3A_91] : memref<30720x128xf32, #tpu.memory_space<hbm>> -> memref<30720x128xf32, #tpu.memory_space<hbm>>
          tpu.enqueue_indirect_dma source(%dma_start3A_92 : memref<30720x128xf32, #tpu.memory_space<hbm>>) target(%arg10 : memref<125x128xf32, #tpu.memory_space<vmem>>) offsets(%dma_start3A_89 : memref<125xi32, #tpu.memory_space<vmem>>) semaphore(%arg12 : memref<!tpu.dma_semaphore, #tpu.memory_space<semaphore_mem>>)
          %dma_wait3A_93 = arith.constant 0 : i32
          %dma_wait3A_94 = tpu.memref_slice %arg9[%add3A_51, %dma_wait3A_93] : memref<40x125xi32, #tpu.memory_space<vmem>> -> memref<1x125xi32, #tpu.memory_space<vmem>>
          %dma_wait3A_95 = tpu.memref_squeeze %dma_wait3A_94 : memref<1x125xi32, #tpu.memory_space<vmem>> -> memref<125xi32, #tpu.memory_space<vmem>>
          %dma_wait3A_96 = arith.constant 0 : i32
          %dma_wait3A_97 = arith.constant 0 : i32
          %dma_wait3A_98 = tpu.memref_slice %arg7[%dma_wait3A_96, %dma_wait3A_97] : memref<10240x128xf32, #tpu.memory_space<vmem_shared>> -> memref<10240x128xf32, #tpu.memory_space<vmem_shared>>
          tpu.wait_indirect_dma semaphore(%arg15 : memref<!tpu.dma_semaphore, #tpu.memory_space<semaphore_mem>>) src(%arg11 : memref<125x128xf32, #tpu.memory_space<vmem>>) dst(%dma_wait3A_98 : memref<10240x128xf32, #tpu.memory_space<vmem_shared>>)
          %add3A_99 = arith.constant 2 : i32
          %add3A_100 = arith.addi %add3A_51, %add3A_99 : i32
          %dma_start3A_101 = arith.constant 0 : i32
          %dma_start3A_102 = tpu.memref_slice %arg8[%add3A_100, %dma_start3A_101] : memref<40x125xi32, #tpu.memory_space<vmem>> -> memref<1x125xi32, #tpu.memory_space<vmem>>
          %dma_start3A_103 = tpu.memref_squeeze %dma_start3A_102 : memref<1x125xi32, #tpu.memory_space<vmem>> -> memref<125xi32, #tpu.memory_space<vmem>>
          %dma_start3A_104 = arith.constant 0 : i32
          %dma_start3A_105 = arith.constant 0 : i32
          %dma_start3A_106 = tpu.memref_slice %arg2[%dma_start3A_104, %dma_start3A_105] : memref<30720x128xf32, #tpu.memory_space<hbm>> -> memref<30720x128xf32, #tpu.memory_space<hbm>>
          tpu.enqueue_indirect_dma source(%dma_start3A_106 : memref<30720x128xf32, #tpu.memory_space<hbm>>) target(%arg11 : memref<125x128xf32, #tpu.memory_space<vmem>>) offsets(%dma_start3A_103 : memref<125xi32, #tpu.memory_space<vmem>>) semaphore(%arg13 : memref<!tpu.dma_semaphore, #tpu.memory_space<semaphore_mem>>)
        } else {
        }
        %scan3A_78 = arith.constant 0 : i32
        scf.yield %scan3A_78 : i32
      }
      %scan3A_28 = arith.constant 20 : i32
      %dma_wait3A = arith.constant 38 : i32
      %dma_wait3A_29 = arith.constant 0 : i32
      %dma_wait3A_30 = tpu.memref_slice %arg9[%dma_wait3A, %dma_wait3A_29] : memref<40x125xi32, #tpu.memory_space<vmem>> -> memref<1x125xi32, #tpu.memory_space<vmem>>
      %dma_wait3A_31 = tpu.memref_squeeze %dma_wait3A_30 : memref<1x125xi32, #tpu.memory_space<vmem>> -> memref<125xi32, #tpu.memory_space<vmem>>
      %dma_wait3A_32 = arith.constant 0 : i32
      %dma_wait3A_33 = arith.constant 0 : i32
      %dma_wait3A_34 = tpu.memref_slice %arg7[%dma_wait3A_32, %dma_wait3A_33] : memref<10240x128xf32, #tpu.memory_space<vmem_shared>> -> memref<10240x128xf32, #tpu.memory_space<vmem_shared>>
      tpu.wait_indirect_dma semaphore(%arg14 : memref<!tpu.dma_semaphore, #tpu.memory_space<semaphore_mem>>) src(%arg10 : memref<125x128xf32, #tpu.memory_space<vmem>>) dst(%dma_wait3A_34 : memref<10240x128xf32, #tpu.memory_space<vmem_shared>>)
      %dma_wait3A_35 = arith.constant 39 : i32
      %dma_wait3A_36 = arith.constant 0 : i32
      %dma_wait3A_37 = tpu.memref_slice %arg9[%dma_wait3A_35, %dma_wait3A_36] : memref<40x125xi32, #tpu.memory_space<vmem>> -> memref<1x125xi32, #tpu.memory_space<vmem>>
      %dma_wait3A_38 = tpu.memref_squeeze %dma_wait3A_37 : memref<1x125xi32, #tpu.memory_space<vmem>> -> memref<125xi32, #tpu.memory_space<vmem>>
      %dma_wait3A_39 = arith.constant 0 : i32
      %dma_wait3A_40 = arith.constant 0 : i32
      %dma_wait3A_41 = tpu.memref_slice %arg7[%dma_wait3A_39, %dma_wait3A_40] : memref<10240x128xf32, #tpu.memory_space<vmem_shared>> -> memref<10240x128xf32, #tpu.memory_space<vmem_shared>>
      tpu.wait_indirect_dma semaphore(%arg15 : memref<!tpu.dma_semaphore, #tpu.memory_space<semaphore_mem>>) src(%arg11 : memref<125x128xf32, #tpu.memory_space<vmem>>) dst(%dma_wait3A_41 : memref<10240x128xf32, #tpu.memory_space<vmem_shared>>)
      %barrier3A_42 = arith.constant 0 : index
      tpu.barrier barrier_id(%barrier3A_42)
      "tpu.region"() ({
        %run_scoped3A = tpu.sem_alloc : memref<!tpu.dma_semaphore, #tpu.memory_space<semaphore_mem>>
        %dma_start3A_45 = arith.constant 0 : i32
        %dma_start3A_46 = tpu.memref_slice %arg6[%arg0, %scan3A_7, %mul3A_0, %dma_start3A_45] : memref<2x3x10240x128xf32, #tpu.memory_space<hbm>> -> memref<1x1x640x128xf32, #tpu.memory_space<hbm>>
        %dma_start3A_47 = tpu.memref_squeeze %dma_start3A_46 : memref<1x1x640x128xf32, #tpu.memory_space<hbm>> -> memref<640x128xf32, #tpu.memory_space<hbm>>
        %dma_start3A_48 = arith.constant 0 : i32
        %dma_start3A_49 = tpu.memref_slice %arg7[%mul3A_0, %dma_start3A_48] : memref<10240x128xf32, #tpu.memory_space<vmem_shared>> -> memref<640x128xf32, #tpu.memory_space<vmem_shared>>
        tpu.enqueue_dma source(%dma_start3A_49 : memref<640x128xf32, #tpu.memory_space<vmem_shared>>) target(%dma_start3A_47 : memref<640x128xf32, #tpu.memory_space<hbm>>) target_semaphore(%run_scoped3A : memref<!tpu.dma_semaphore, #tpu.memory_space<semaphore_mem>>)
        %dma_wait3A_50 = arith.constant 0 : i32
        %dma_wait3A_51 = tpu.memref_slice %arg6[%arg0, %scan3A_7, %mul3A_0, %dma_wait3A_50] : memref<2x3x10240x128xf32, #tpu.memory_space<hbm>> -> memref<1x1x640x128xf32, #tpu.memory_space<hbm>>
        %dma_wait3A_52 = tpu.memref_squeeze %dma_wait3A_51 : memref<1x1x640x128xf32, #tpu.memory_space<hbm>> -> memref<640x128xf32, #tpu.memory_space<hbm>>
        %dma_wait3A_53 = arith.constant 0 : i32
        %dma_wait3A_54 = tpu.memref_slice %arg7[%mul3A_0, %dma_wait3A_53] : memref<10240x128xf32, #tpu.memory_space<vmem_shared>> -> memref<640x128xf32, #tpu.memory_space<vmem_shared>>
        tpu.wait_dma2 semaphore(%run_scoped3A : memref<!tpu.dma_semaphore, #tpu.memory_space<semaphore_mem>>) src(%dma_wait3A_54 : memref<640x128xf32, #tpu.memory_space<vmem_shared>>) dst(%dma_wait3A_52 : memref<640x128xf32, #tpu.memory_space<hbm>>)
        tpu.yield
      }) : () -> ()
      %barrier3A_43 = arith.constant 0 : index
      tpu.barrier barrier_id(%barrier3A_43)
      %scan3A_44 = arith.constant 0 : i32
      scf.yield %scan3A_44 : i32
    }
    %scan3A_6 = arith.constant 3 : i32
    return
  }
}

#map = affine_map<(d0, d1) -> (0, 0)>
#map1 = affine_map<(d0, d1) -> (0, 0, 0, 0, 0)>
#map2 = affine_map<(d0, d1) -> (0, 0, 0, 0)>
module attributes {stable_mosaic.version = 14 : i64} {
  func.func @body(%arg0: i32, %arg1: i32, %arg2: memref<40960x128xf32, #tpu.memory_space<hbm>>, %arg3: memref<4x2x16x40x125xi32, #tpu.memory_space<hbm>>, %arg4: memref<2x16x40x125xi32, #tpu.memory_space<hbm>>, %arg5: memref<640x128xf32, #tpu.memory_space<hbm>>, %arg6: memref<2x4x10240x128xf32, #tpu.memory_space<hbm>>, %arg7: memref<10240x128xf32, #tpu.memory_space<vmem_shared>>, %arg8: memref<40x125xi32, #tpu.memory_space<vmem>>, %arg9: memref<40x125xi32, #tpu.memory_space<vmem>>, %arg10: memref<125x128xf32, #tpu.memory_space<vmem>>, %arg11: memref<125x128xf32, #tpu.memory_space<vmem>>, %arg12: memref<!tpu.dma_semaphore, #tpu.memory_space<semaphore_mem>>, %arg13: memref<!tpu.dma_semaphore, #tpu.memory_space<semaphore_mem>>, %arg14: memref<!tpu.dma_semaphore, #tpu.memory_space<semaphore_mem>>, %arg15: memref<!tpu.dma_semaphore, #tpu.memory_space<semaphore_mem>>) attributes {dimension_semantics = [#tpu.dimension_semantics<core_parallel>, #tpu.dimension_semantics<subcore_parallel>], iteration_bounds = array<i64: 2, 16>, scalar_prefetch = 0 : i64, scratch_operands = 9 : i64, tpu.core_type = #tpu.core_type<sc_vector_subcore>, window_params = [{transform_indices = #map}, {transform_indices = #map1}, {transform_indices = #map2}, {transform_indices = #map}, {transform_indices = #map2}]} {
    %mul3A = arith.constant 640 : i32
    %mul3A_0 = arith.muli %arg1, %mul3A : i32
    "tpu.region"() ({
      %run_scoped3A = tpu.sem_alloc : memref<!tpu.dma_semaphore, #tpu.memory_space<semaphore_mem>>
      %dma_start3A = arith.constant 0 : i32
      %dma_start3A_7 = arith.constant 0 : i32
      %dma_start3A_8 = tpu.memref_slice %arg4[%arg0, %arg1, %dma_start3A, %dma_start3A_7] : memref<2x16x40x125xi32, #tpu.memory_space<hbm>> -> memref<1x1x40x125xi32, #tpu.memory_space<hbm>>
      %dma_start3A_9 = tpu.memref_squeeze %dma_start3A_8 : memref<1x1x40x125xi32, #tpu.memory_space<hbm>> -> memref<40x125xi32, #tpu.memory_space<hbm>>
      %dma_start3A_10 = arith.constant 0 : i32
      %dma_start3A_11 = arith.constant 0 : i32
      %dma_start3A_12 = tpu.memref_slice %arg4[%arg0, %arg1, %dma_start3A_10, %dma_start3A_11] : memref<2x16x40x125xi32, #tpu.memory_space<hbm>> -> memref<1x1x40x125xi32, #tpu.memory_space<hbm>>
      %dma_start3A_13 = tpu.memref_squeeze %dma_start3A_12 : memref<1x1x40x125xi32, #tpu.memory_space<hbm>> -> memref<40x125xi32, #tpu.memory_space<hbm>>
      tpu.enqueue_dma source(%dma_start3A_13 : memref<40x125xi32, #tpu.memory_space<hbm>>) target(%arg9 : memref<40x125xi32, #tpu.memory_space<vmem>>) target_semaphore(%run_scoped3A : memref<!tpu.dma_semaphore, #tpu.memory_space<semaphore_mem>>)
      %dma_wait3A = arith.constant 0 : i32
      %dma_wait3A_14 = arith.constant 0 : i32
      %dma_wait3A_15 = tpu.memref_slice %arg4[%arg0, %arg1, %dma_wait3A, %dma_wait3A_14] : memref<2x16x40x125xi32, #tpu.memory_space<hbm>> -> memref<1x1x40x125xi32, #tpu.memory_space<hbm>>
      %dma_wait3A_16 = tpu.memref_squeeze %dma_wait3A_15 : memref<1x1x40x125xi32, #tpu.memory_space<hbm>> -> memref<40x125xi32, #tpu.memory_space<hbm>>
      %dma_wait3A_17 = arith.constant 0 : i32
      %dma_wait3A_18 = arith.constant 0 : i32
      %dma_wait3A_19 = tpu.memref_slice %arg4[%arg0, %arg1, %dma_wait3A_17, %dma_wait3A_18] : memref<2x16x40x125xi32, #tpu.memory_space<hbm>> -> memref<1x1x40x125xi32, #tpu.memory_space<hbm>>
      %dma_wait3A_20 = tpu.memref_squeeze %dma_wait3A_19 : memref<1x1x40x125xi32, #tpu.memory_space<hbm>> -> memref<40x125xi32, #tpu.memory_space<hbm>>
      tpu.wait_dma2 semaphore(%run_scoped3A : memref<!tpu.dma_semaphore, #tpu.memory_space<semaphore_mem>>) src(%dma_wait3A_20 : memref<40x125xi32, #tpu.memory_space<hbm>>) dst(%arg9 : memref<40x125xi32, #tpu.memory_space<vmem>>)
      tpu.yield
    }) : () -> ()
    %scan3A = arith.constant 0 : i32
    %scan3A_1 = arith.constant 0 : i32
    %scan3A_2 = arith.constant 4 : i32
    %scan3A_3 = arith.addi %scan3A_1, %scan3A_2 : i32
    %scan3A_4 = arith.constant 1 : i32
    %scan3A_5 = scf.for %scan3A_7 = %scan3A_1 to %scan3A_3 step %scan3A_4 iter_args(%scan3A_8 = %scan3A) -> (i32)  : i32 {
      "tpu.region"() ({
        %run_scoped3A = tpu.sem_alloc : memref<!tpu.dma_semaphore, #tpu.memory_space<semaphore_mem>>
        %dma_start3A_45 = arith.constant 0 : i32
        %dma_start3A_46 = arith.constant 0 : i32
        %dma_start3A_47 = tpu.memref_slice %arg3[%scan3A_7, %arg0, %arg1, %dma_start3A_45, %dma_start3A_46] : memref<4x2x16x40x125xi32, #tpu.memory_space<hbm>> -> memref<1x1x1x40x125xi32, #tpu.memory_space<hbm>>
        %dma_start3A_48 = tpu.memref_squeeze %dma_start3A_47 : memref<1x1x1x40x125xi32, #tpu.memory_space<hbm>> -> memref<40x125xi32, #tpu.memory_space<hbm>>
        %dma_start3A_49 = arith.constant 0 : i32
        %dma_start3A_50 = arith.constant 0 : i32
        %dma_start3A_51 = tpu.memref_slice %arg3[%scan3A_7, %arg0, %arg1, %dma_start3A_49, %dma_start3A_50] : memref<4x2x16x40x125xi32, #tpu.memory_space<hbm>> -> memref<1x1x1x40x125xi32, #tpu.memory_space<hbm>>
        %dma_start3A_52 = tpu.memref_squeeze %dma_start3A_51 : memref<1x1x1x40x125xi32, #tpu.memory_space<hbm>> -> memref<40x125xi32, #tpu.memory_space<hbm>>
        tpu.enqueue_dma source(%dma_start3A_52 : memref<40x125xi32, #tpu.memory_space<hbm>>) target(%arg8 : memref<40x125xi32, #tpu.memory_space<vmem>>) target_semaphore(%run_scoped3A : memref<!tpu.dma_semaphore, #tpu.memory_space<semaphore_mem>>)
        %dma_wait3A_53 = arith.constant 0 : i32
        %dma_wait3A_54 = arith.constant 0 : i32
        %dma_wait3A_55 = tpu.memref_slice %arg3[%scan3A_7, %arg0, %arg1, %dma_wait3A_53, %dma_wait3A_54] : memref<4x2x16x40x125xi32, #tpu.memory_space<hbm>> -> memref<1x1x1x40x125xi32, #tpu.memory_space<hbm>>
        %dma_wait3A_56 = tpu.memref_squeeze %dma_wait3A_55 : memref<1x1x1x40x125xi32, #tpu.memory_space<hbm>> -> memref<40x125xi32, #tpu.memory_space<hbm>>
        %dma_wait3A_57 = arith.constant 0 : i32
        %dma_wait3A_58 = arith.constant 0 : i32
        %dma_wait3A_59 = tpu.memref_slice %arg3[%scan3A_7, %arg0, %arg1, %dma_wait3A_57, %dma_wait3A_58] : memref<4x2x16x40x125xi32, #tpu.memory_space<hbm>> -> memref<1x1x1x40x125xi32, #tpu.memory_space<hbm>>
        %dma_wait3A_60 = tpu.memref_squeeze %dma_wait3A_59 : memref<1x1x1x40x125xi32, #tpu.memory_space<hbm>> -> memref<40x125xi32, #tpu.memory_space<hbm>>
        tpu.wait_dma2 semaphore(%run_scoped3A : memref<!tpu.dma_semaphore, #tpu.memory_space<semaphore_mem>>) src(%dma_wait3A_60 : memref<40x125xi32, #tpu.memory_space<hbm>>) dst(%arg8 : memref<40x125xi32, #tpu.memory_space<vmem>>)
        tpu.yield
      }) : () -> ()
      "tpu.region"() ({
        %run_scoped3A = tpu.sem_alloc : memref<!tpu.dma_semaphore, #tpu.memory_space<semaphore_mem>>
        %dma_start3A_45 = arith.constant 0 : i32
        %dma_start3A_46 = tpu.memref_slice %arg7[%mul3A_0, %dma_start3A_45] : memref<10240x128xf32, #tpu.memory_space<vmem_shared>> -> memref<640x128xf32, #tpu.memory_space<vmem_shared>>
        tpu.enqueue_dma source(%arg5 : memref<640x128xf32, #tpu.memory_space<hbm>>) target(%dma_start3A_46 : memref<640x128xf32, #tpu.memory_space<vmem_shared>>) target_semaphore(%run_scoped3A : memref<!tpu.dma_semaphore, #tpu.memory_space<semaphore_mem>>)
        %dma_wait3A_47 = arith.constant 0 : i32
        %dma_wait3A_48 = tpu.memref_slice %arg7[%mul3A_0, %dma_wait3A_47] : memref<10240x128xf32, #tpu.memory_space<vmem_shared>> -> memref<640x128xf32, #tpu.memory_space<vmem_shared>>
        tpu.wait_dma2 semaphore(%run_scoped3A : memref<!tpu.dma_semaphore, #tpu.memory_space<semaphore_mem>>) src(%arg5 : memref<640x128xf32, #tpu.memory_space<hbm>>) dst(%dma_wait3A_48 : memref<640x128xf32, #tpu.memory_space<vmem_shared>>)
        tpu.yield
      }) : () -> ()
      %barrier3A = arith.constant 0 : index
      tpu.barrier barrier_id(%barrier3A)
      %dma_start3A = arith.constant 0 : i32
      %dma_start3A_9 = arith.constant 0 : i32
      %dma_start3A_10 = tpu.memref_slice %arg8[%dma_start3A, %dma_start3A_9] : memref<40x125xi32, #tpu.memory_space<vmem>> -> memref<1x125xi32, #tpu.memory_space<vmem>>
      %dma_start3A_11 = tpu.memref_squeeze %dma_start3A_10 : memref<1x125xi32, #tpu.memory_space<vmem>> -> memref<125xi32, #tpu.memory_space<vmem>>
      %dma_start3A_12 = arith.constant 0 : i32
      %dma_start3A_13 = arith.constant 0 : i32
      %dma_start3A_14 = tpu.memref_slice %arg2[%dma_start3A_12, %dma_start3A_13] : memref<40960x128xf32, #tpu.memory_space<hbm>> -> memref<40960x128xf32, #tpu.memory_space<hbm>>
      tpu.enqueue_indirect_dma source(%dma_start3A_14 : memref<40960x128xf32, #tpu.memory_space<hbm>>) target(%arg10 : memref<125x128xf32, #tpu.memory_space<vmem>>) offsets(%dma_start3A_11 : memref<125xi32, #tpu.memory_space<vmem>>) semaphore(%arg12 : memref<!tpu.dma_semaphore, #tpu.memory_space<semaphore_mem>>)
      %dma_start3A_15 = arith.constant 1 : i32
      %dma_start3A_16 = arith.constant 0 : i32
      %dma_start3A_17 = tpu.memref_slice %arg8[%dma_start3A_15, %dma_start3A_16] : memref<40x125xi32, #tpu.memory_space<vmem>> -> memref<1x125xi32, #tpu.memory_space<vmem>>
      %dma_start3A_18 = tpu.memref_squeeze %dma_start3A_17 : memref<1x125xi32, #tpu.memory_space<vmem>> -> memref<125xi32, #tpu.memory_space<vmem>>
      %dma_start3A_19 = arith.constant 0 : i32
      %dma_start3A_20 = arith.constant 0 : i32
      %dma_start3A_21 = tpu.memref_slice %arg2[%dma_start3A_19, %dma_start3A_20] : memref<40960x128xf32, #tpu.memory_space<hbm>> -> memref<40960x128xf32, #tpu.memory_space<hbm>>
      tpu.enqueue_indirect_dma source(%dma_start3A_21 : memref<40960x128xf32, #tpu.memory_space<hbm>>) target(%arg11 : memref<125x128xf32, #tpu.memory_space<vmem>>) offsets(%dma_start3A_18 : memref<125xi32, #tpu.memory_space<vmem>>) semaphore(%arg13 : memref<!tpu.dma_semaphore, #tpu.memory_space<semaphore_mem>>)
      %scan3A_22 = arith.constant 0 : i32
      %scan3A_23 = arith.constant 0 : i32
      %scan3A_24 = arith.constant 20 : i32
      %scan3A_25 = arith.addi %scan3A_23, %scan3A_24 : i32
      %scan3A_26 = arith.constant 1 : i32
      %scan3A_27 = scf.for %scan3A_45 = %scan3A_23 to %scan3A_25 step %scan3A_26 iter_args(%scan3A_46 = %scan3A_22) -> (i32)  : i32 {
        %mul3A_47 = arith.constant 2 : i32
        %mul3A_48 = arith.muli %mul3A_47, %scan3A_45 : i32
        %mul3A_49 = arith.constant 2 : i32
        %mul3A_50 = arith.muli %mul3A_49, %scan3A_45 : i32
        %add3A = arith.constant 1 : i32
        %add3A_51 = arith.addi %mul3A_50, %add3A : i32
        %dma_wait3A_52 = arith.constant 0 : i32
        %dma_wait3A_53 = tpu.memref_slice %arg8[%mul3A_48, %dma_wait3A_52] : memref<40x125xi32, #tpu.memory_space<vmem>> -> memref<1x125xi32, #tpu.memory_space<vmem>>
        %dma_wait3A_54 = tpu.memref_squeeze %dma_wait3A_53 : memref<1x125xi32, #tpu.memory_space<vmem>> -> memref<125xi32, #tpu.memory_space<vmem>>
        %dma_wait3A_55 = arith.constant 0 : i32
        %dma_wait3A_56 = arith.constant 0 : i32
        %dma_wait3A_57 = tpu.memref_slice %arg2[%dma_wait3A_55, %dma_wait3A_56] : memref<40960x128xf32, #tpu.memory_space<hbm>> -> memref<40960x128xf32, #tpu.memory_space<hbm>>
        tpu.wait_indirect_dma semaphore(%arg12 : memref<!tpu.dma_semaphore, #tpu.memory_space<semaphore_mem>>) src(%dma_wait3A_57 : memref<40960x128xf32, #tpu.memory_space<hbm>>) dst(%arg10 : memref<125x128xf32, #tpu.memory_space<vmem>>)
        %dma_start3A_58 = arith.constant 0 : i32
        %dma_start3A_59 = tpu.memref_slice %arg9[%mul3A_48, %dma_start3A_58] : memref<40x125xi32, #tpu.memory_space<vmem>> -> memref<1x125xi32, #tpu.memory_space<vmem>>
        %dma_start3A_60 = tpu.memref_squeeze %dma_start3A_59 : memref<1x125xi32, #tpu.memory_space<vmem>> -> memref<125xi32, #tpu.memory_space<vmem>>
        %dma_start3A_61 = arith.constant 0 : i32
        %dma_start3A_62 = arith.constant 0 : i32
        %dma_start3A_63 = tpu.memref_slice %arg7[%dma_start3A_61, %dma_start3A_62] : memref<10240x128xf32, #tpu.memory_space<vmem_shared>> -> memref<10240x128xf32, #tpu.memory_space<vmem_shared>>
        tpu.enqueue_indirect_dma source(%arg10 : memref<125x128xf32, #tpu.memory_space<vmem>>) target(%dma_start3A_63 : memref<10240x128xf32, #tpu.memory_space<vmem_shared>>) offsets(%dma_start3A_60 : memref<125xi32, #tpu.memory_space<vmem>>) semaphore(%arg14 : memref<!tpu.dma_semaphore, #tpu.memory_space<semaphore_mem>>) {add = true}
        %dma_wait3A_64 = arith.constant 0 : i32
        %dma_wait3A_65 = tpu.memref_slice %arg8[%add3A_51, %dma_wait3A_64] : memref<40x125xi32, #tpu.memory_space<vmem>> -> memref<1x125xi32, #tpu.memory_space<vmem>>
        %dma_wait3A_66 = tpu.memref_squeeze %dma_wait3A_65 : memref<1x125xi32, #tpu.memory_space<vmem>> -> memref<125xi32, #tpu.memory_space<vmem>>
        %dma_wait3A_67 = arith.constant 0 : i32
        %dma_wait3A_68 = arith.constant 0 : i32
        %dma_wait3A_69 = tpu.memref_slice %arg2[%dma_wait3A_67, %dma_wait3A_68] : memref<40960x128xf32, #tpu.memory_space<hbm>> -> memref<40960x128xf32, #tpu.memory_space<hbm>>
        tpu.wait_indirect_dma semaphore(%arg13 : memref<!tpu.dma_semaphore, #tpu.memory_space<semaphore_mem>>) src(%dma_wait3A_69 : memref<40960x128xf32, #tpu.memory_space<hbm>>) dst(%arg11 : memref<125x128xf32, #tpu.memory_space<vmem>>)
        %dma_start3A_70 = arith.constant 0 : i32
        %dma_start3A_71 = tpu.memref_slice %arg9[%add3A_51, %dma_start3A_70] : memref<40x125xi32, #tpu.memory_space<vmem>> -> memref<1x125xi32, #tpu.memory_space<vmem>>
        %dma_start3A_72 = tpu.memref_squeeze %dma_start3A_71 : memref<1x125xi32, #tpu.memory_space<vmem>> -> memref<125xi32, #tpu.memory_space<vmem>>
        %dma_start3A_73 = arith.constant 0 : i32
        %dma_start3A_74 = arith.constant 0 : i32
        %dma_start3A_75 = tpu.memref_slice %arg7[%dma_start3A_73, %dma_start3A_74] : memref<10240x128xf32, #tpu.memory_space<vmem_shared>> -> memref<10240x128xf32, #tpu.memory_space<vmem_shared>>
        tpu.enqueue_indirect_dma source(%arg11 : memref<125x128xf32, #tpu.memory_space<vmem>>) target(%dma_start3A_75 : memref<10240x128xf32, #tpu.memory_space<vmem_shared>>) offsets(%dma_start3A_72 : memref<125xi32, #tpu.memory_space<vmem>>) semaphore(%arg15 : memref<!tpu.dma_semaphore, #tpu.memory_space<semaphore_mem>>) {add = true}
        %lt3A = arith.constant 19 : i32
        %lt3A_76 = arith.cmpi slt, %scan3A_45, %lt3A : i32
        %convert_element_type3A = arith.extui %lt3A_76 : i1 to i32
        %cond3A = arith.constant 0 : i32
        %cond3A_77 = arith.cmpi ne, %convert_element_type3A, %cond3A : i32
        scf.if %cond3A_77 {
          %dma_wait3A_79 = arith.constant 0 : i32
          %dma_wait3A_80 = tpu.memref_slice %arg9[%mul3A_48, %dma_wait3A_79] : memref<40x125xi32, #tpu.memory_space<vmem>> -> memref<1x125xi32, #tpu.memory_space<vmem>>
          %dma_wait3A_81 = tpu.memref_squeeze %dma_wait3A_80 : memref<1x125xi32, #tpu.memory_space<vmem>> -> memref<125xi32, #tpu.memory_space<vmem>>
          %dma_wait3A_82 = arith.constant 0 : i32
          %dma_wait3A_83 = arith.constant 0 : i32
          %dma_wait3A_84 = tpu.memref_slice %arg7[%dma_wait3A_82, %dma_wait3A_83] : memref<10240x128xf32, #tpu.memory_space<vmem_shared>> -> memref<10240x128xf32, #tpu.memory_space<vmem_shared>>
          tpu.wait_indirect_dma semaphore(%arg14 : memref<!tpu.dma_semaphore, #tpu.memory_space<semaphore_mem>>) src(%arg10 : memref<125x128xf32, #tpu.memory_space<vmem>>) dst(%dma_wait3A_84 : memref<10240x128xf32, #tpu.memory_space<vmem_shared>>)
          %add3A_85 = arith.constant 2 : i32
          %add3A_86 = arith.addi %mul3A_48, %add3A_85 : i32
          %dma_start3A_87 = arith.constant 0 : i32
          %dma_start3A_88 = tpu.memref_slice %arg8[%add3A_86, %dma_start3A_87] : memref<40x125xi32, #tpu.memory_space<vmem>> -> memref<1x125xi32, #tpu.memory_space<vmem>>
          %dma_start3A_89 = tpu.memref_squeeze %dma_start3A_88 : memref<1x125xi32, #tpu.memory_space<vmem>> -> memref<125xi32, #tpu.memory_space<vmem>>
          %dma_start3A_90 = arith.constant 0 : i32
          %dma_start3A_91 = arith.constant 0 : i32
          %dma_start3A_92 = tpu.memref_slice %arg2[%dma_start3A_90, %dma_start3A_91] : memref<40960x128xf32, #tpu.memory_space<hbm>> -> memref<40960x128xf32, #tpu.memory_space<hbm>>
          tpu.enqueue_indirect_dma source(%dma_start3A_92 : memref<40960x128xf32, #tpu.memory_space<hbm>>) target(%arg10 : memref<125x128xf32, #tpu.memory_space<vmem>>) offsets(%dma_start3A_89 : memref<125xi32, #tpu.memory_space<vmem>>) semaphore(%arg12 : memref<!tpu.dma_semaphore, #tpu.memory_space<semaphore_mem>>)
          %dma_wait3A_93 = arith.constant 0 : i32
          %dma_wait3A_94 = tpu.memref_slice %arg9[%add3A_51, %dma_wait3A_93] : memref<40x125xi32, #tpu.memory_space<vmem>> -> memref<1x125xi32, #tpu.memory_space<vmem>>
          %dma_wait3A_95 = tpu.memref_squeeze %dma_wait3A_94 : memref<1x125xi32, #tpu.memory_space<vmem>> -> memref<125xi32, #tpu.memory_space<vmem>>
          %dma_wait3A_96 = arith.constant 0 : i32
          %dma_wait3A_97 = arith.constant 0 : i32
          %dma_wait3A_98 = tpu.memref_slice %arg7[%dma_wait3A_96, %dma_wait3A_97] : memref<10240x128xf32, #tpu.memory_space<vmem_shared>> -> memref<10240x128xf32, #tpu.memory_space<vmem_shared>>
          tpu.wait_indirect_dma semaphore(%arg15 : memref<!tpu.dma_semaphore, #tpu.memory_space<semaphore_mem>>) src(%arg11 : memref<125x128xf32, #tpu.memory_space<vmem>>) dst(%dma_wait3A_98 : memref<10240x128xf32, #tpu.memory_space<vmem_shared>>)
          %add3A_99 = arith.constant 2 : i32
          %add3A_100 = arith.addi %add3A_51, %add3A_99 : i32
          %dma_start3A_101 = arith.constant 0 : i32
          %dma_start3A_102 = tpu.memref_slice %arg8[%add3A_100, %dma_start3A_101] : memref<40x125xi32, #tpu.memory_space<vmem>> -> memref<1x125xi32, #tpu.memory_space<vmem>>
          %dma_start3A_103 = tpu.memref_squeeze %dma_start3A_102 : memref<1x125xi32, #tpu.memory_space<vmem>> -> memref<125xi32, #tpu.memory_space<vmem>>
          %dma_start3A_104 = arith.constant 0 : i32
          %dma_start3A_105 = arith.constant 0 : i32
          %dma_start3A_106 = tpu.memref_slice %arg2[%dma_start3A_104, %dma_start3A_105] : memref<40960x128xf32, #tpu.memory_space<hbm>> -> memref<40960x128xf32, #tpu.memory_space<hbm>>
          tpu.enqueue_indirect_dma source(%dma_start3A_106 : memref<40960x128xf32, #tpu.memory_space<hbm>>) target(%arg11 : memref<125x128xf32, #tpu.memory_space<vmem>>) offsets(%dma_start3A_103 : memref<125xi32, #tpu.memory_space<vmem>>) semaphore(%arg13 : memref<!tpu.dma_semaphore, #tpu.memory_space<semaphore_mem>>)
        } else {
        }
        %scan3A_78 = arith.constant 0 : i32
        scf.yield %scan3A_78 : i32
      }
      %scan3A_28 = arith.constant 20 : i32
      %dma_wait3A = arith.constant 38 : i32
      %dma_wait3A_29 = arith.constant 0 : i32
      %dma_wait3A_30 = tpu.memref_slice %arg9[%dma_wait3A, %dma_wait3A_29] : memref<40x125xi32, #tpu.memory_space<vmem>> -> memref<1x125xi32, #tpu.memory_space<vmem>>
      %dma_wait3A_31 = tpu.memref_squeeze %dma_wait3A_30 : memref<1x125xi32, #tpu.memory_space<vmem>> -> memref<125xi32, #tpu.memory_space<vmem>>
      %dma_wait3A_32 = arith.constant 0 : i32
      %dma_wait3A_33 = arith.constant 0 : i32
      %dma_wait3A_34 = tpu.memref_slice %arg7[%dma_wait3A_32, %dma_wait3A_33] : memref<10240x128xf32, #tpu.memory_space<vmem_shared>> -> memref<10240x128xf32, #tpu.memory_space<vmem_shared>>
      tpu.wait_indirect_dma semaphore(%arg14 : memref<!tpu.dma_semaphore, #tpu.memory_space<semaphore_mem>>) src(%arg10 : memref<125x128xf32, #tpu.memory_space<vmem>>) dst(%dma_wait3A_34 : memref<10240x128xf32, #tpu.memory_space<vmem_shared>>)
      %dma_wait3A_35 = arith.constant 39 : i32
      %dma_wait3A_36 = arith.constant 0 : i32
      %dma_wait3A_37 = tpu.memref_slice %arg9[%dma_wait3A_35, %dma_wait3A_36] : memref<40x125xi32, #tpu.memory_space<vmem>> -> memref<1x125xi32, #tpu.memory_space<vmem>>
      %dma_wait3A_38 = tpu.memref_squeeze %dma_wait3A_37 : memref<1x125xi32, #tpu.memory_space<vmem>> -> memref<125xi32, #tpu.memory_space<vmem>>
      %dma_wait3A_39 = arith.constant 0 : i32
      %dma_wait3A_40 = arith.constant 0 : i32
      %dma_wait3A_41 = tpu.memref_slice %arg7[%dma_wait3A_39, %dma_wait3A_40] : memref<10240x128xf32, #tpu.memory_space<vmem_shared>> -> memref<10240x128xf32, #tpu.memory_space<vmem_shared>>
      tpu.wait_indirect_dma semaphore(%arg15 : memref<!tpu.dma_semaphore, #tpu.memory_space<semaphore_mem>>) src(%arg11 : memref<125x128xf32, #tpu.memory_space<vmem>>) dst(%dma_wait3A_41 : memref<10240x128xf32, #tpu.memory_space<vmem_shared>>)
      %barrier3A_42 = arith.constant 0 : index
      tpu.barrier barrier_id(%barrier3A_42)
      "tpu.region"() ({
        %run_scoped3A = tpu.sem_alloc : memref<!tpu.dma_semaphore, #tpu.memory_space<semaphore_mem>>
        %dma_start3A_45 = arith.constant 0 : i32
        %dma_start3A_46 = tpu.memref_slice %arg6[%arg0, %scan3A_7, %mul3A_0, %dma_start3A_45] : memref<2x4x10240x128xf32, #tpu.memory_space<hbm>> -> memref<1x1x640x128xf32, #tpu.memory_space<hbm>>
        %dma_start3A_47 = tpu.memref_squeeze %dma_start3A_46 : memref<1x1x640x128xf32, #tpu.memory_space<hbm>> -> memref<640x128xf32, #tpu.memory_space<hbm>>
        %dma_start3A_48 = arith.constant 0 : i32
        %dma_start3A_49 = tpu.memref_slice %arg7[%mul3A_0, %dma_start3A_48] : memref<10240x128xf32, #tpu.memory_space<vmem_shared>> -> memref<640x128xf32, #tpu.memory_space<vmem_shared>>
        tpu.enqueue_dma source(%dma_start3A_49 : memref<640x128xf32, #tpu.memory_space<vmem_shared>>) target(%dma_start3A_47 : memref<640x128xf32, #tpu.memory_space<hbm>>) target_semaphore(%run_scoped3A : memref<!tpu.dma_semaphore, #tpu.memory_space<semaphore_mem>>)
        %dma_wait3A_50 = arith.constant 0 : i32
        %dma_wait3A_51 = tpu.memref_slice %arg6[%arg0, %scan3A_7, %mul3A_0, %dma_wait3A_50] : memref<2x4x10240x128xf32, #tpu.memory_space<hbm>> -> memref<1x1x640x128xf32, #tpu.memory_space<hbm>>
        %dma_wait3A_52 = tpu.memref_squeeze %dma_wait3A_51 : memref<1x1x640x128xf32, #tpu.memory_space<hbm>> -> memref<640x128xf32, #tpu.memory_space<hbm>>
        %dma_wait3A_53 = arith.constant 0 : i32
        %dma_wait3A_54 = tpu.memref_slice %arg7[%mul3A_0, %dma_wait3A_53] : memref<10240x128xf32, #tpu.memory_space<vmem_shared>> -> memref<640x128xf32, #tpu.memory_space<vmem_shared>>
        tpu.wait_dma2 semaphore(%run_scoped3A : memref<!tpu.dma_semaphore, #tpu.memory_space<semaphore_mem>>) src(%dma_wait3A_54 : memref<640x128xf32, #tpu.memory_space<vmem_shared>>) dst(%dma_wait3A_52 : memref<640x128xf32, #tpu.memory_space<hbm>>)
        tpu.yield
      }) : () -> ()
      %barrier3A_43 = arith.constant 0 : index
      tpu.barrier barrier_id(%barrier3A_43)
      %scan3A_44 = arith.constant 0 : i32
      scf.yield %scan3A_44 : i32
    }
    %scan3A_6 = arith.constant 4 : i32
    return
  }
}

module attributes {stable_mosaic.version = 14 : i64} {
  func.func @body(%arg0: i32, %arg1: i32, %arg2: memref<1x1024x128xf32, #tpu.memory_space<vmem>>, %arg3: memref<1x128x512xbf16, #tpu.memory_space<vmem>>, %arg4: memref<1x512xf32, #tpu.memory_space<vmem>>, %arg5: memref<4x1024x128xf32, #tpu.memory_space<vmem>>) attributes {dimension_semantics = [#tpu.dimension_semantics<parallel>, #tpu.dimension_semantics<arbitrary>], iteration_bounds = array<i64: 10, 2>, scalar_prefetch = 0 : i64, scratch_operands = 0 : i64, tpu.core_type = #tpu.core_type<tc>, window_params = [{transform_indices = @transform_0, window_bounds = array<i64: 1, 1024, 128>}, {transform_indices = @transform_1, window_bounds = array<i64: 1, 128, 512>}, {pipeline_mode = #tpu.pipeline_mode<synchronous>, transform_indices = @transform_2, window_bounds = array<i64: 1, 512>}, {transform_indices = @transform_3, window_bounds = array<i64: 4, 1024, 128>}]} {
    %eq3A = arith.constant 0 : i32
    %eq3A_0 = arith.cmpi eq, %arg1, %eq3A : i32
    %convert_element_type3A = arith.extui %eq3A_0 : i1 to i32
    %cond3A = arith.constant 0 : i32
    %cond3A_1 = arith.cmpi ne, %convert_element_type3A, %cond3A : i32
    scf.if %cond3A_1 {
      %broadcast_in_dim3A = arith.constant 0.000000e+00 : f32
      %broadcast_in_dim3A_67 = vector.broadcast %broadcast_in_dim3A : f32 to vector<4x1024x128xf32>
      %swap3A_68 = arith.constant 0 : index
      %swap3A_69 = arith.constant 0 : index
      %swap3A_70 = arith.constant 0 : index
      %swap3A_71 = vector.load %arg5[%swap3A_68, %swap3A_69, %swap3A_70] : memref<4x1024x128xf32, #tpu.memory_space<vmem>>, vector<4x1024x128xf32>
      tpu.vector_store %arg5[%swap3A_68, %swap3A_69, %swap3A_70], %broadcast_in_dim3A_67 {strides = array<i32>} : memref<4x1024x128xf32, #tpu.memory_space<vmem>>, vector<4x1024x128xf32>,
    } else {
    }
    %get3A = arith.constant 0 : index
    %get3A_2 = arith.constant 0 : index
    %get3A_3 = arith.constant 0 : index
    %get3A_4 = vector.load %arg2[%get3A, %get3A_2, %get3A_3] : memref<1x1024x128xf32, #tpu.memory_space<vmem>>, vector<1x1024x128xf32>
    %get3A_5 = vector.shape_cast %get3A_4 : vector<1x1024x128xf32> to vector<1024x128xf32>
    %convert_element_type3A_6 = arith.truncf %get3A_5 : vector<1024x128xf32> to vector<1024x128xbf16>
    %get3A_7 = arith.constant 0 : index
    %get3A_8 = arith.constant 0 : index
    %get3A_9 = arith.constant 0 : index
    %get3A_10 = vector.load %arg3[%get3A_7, %get3A_8, %get3A_9] : memref<1x128x512xbf16, #tpu.memory_space<vmem>>, vector<1x128x512xbf16>
    %get3A_11 = vector.shape_cast %get3A_10 : vector<1x128x512xbf16> to vector<128x512xbf16>
    %dot_general3A = arith.constant dense<0.000000e+00> : vector<1024x512xf32>
    %dot_general3A_12 = tpu.matmul %convert_element_type3A_6, %get3A_11, %dot_general3A {dimension_numbers = #tpu.dot_dimension_numbers<[1], [0], [0], [1], [0, 0, 1, 1], [], []>, transpose_lhs_hint = false} : vector<1024x128xbf16>, vector<128x512xbf16>, vector<1024x512xf32> -> vector<1024x512xf32>
    %get3A_13 = arith.constant 0 : index
    %get3A_14 = arith.constant 0 : index
    %get3A_15 = arith.constant 0 : index
    %get3A_16 = vector.load %arg5[%get3A_13, %get3A_14, %get3A_15] : memref<4x1024x128xf32, #tpu.memory_space<vmem>>, vector<1x1024x128xf32>
    %get3A_17 = vector.shape_cast %get3A_16 : vector<1x1024x128xf32> to vector<1024x128xf32>
    %slice3A = vector.extract_strided_slice %dot_general3A_12 {offsets = [0, 0], sizes = [1024, 128], strides = [1, 1]} : vector<1024x512xf32> to vector<1024x128xf32>
    %add3A = arith.addf %get3A_17, %slice3A : vector<1024x128xf32>
    %swap3A = arith.constant 0 : index
    %swap3A_18 = arith.constant 0 : index
    %swap3A_19 = arith.constant 0 : index
    %swap3A_20 = vector.load %arg5[%swap3A, %swap3A_18, %swap3A_19] : memref<4x1024x128xf32, #tpu.memory_space<vmem>>, vector<1x1024x128xf32>
    %swap3A_21 = vector.shape_cast %swap3A_20 : vector<1x1024x128xf32> to vector<1024x128xf32>
    %swap3A_22 = vector.shape_cast %add3A : vector<1024x128xf32> to vector<1x1024x128xf32>
    tpu.vector_store %arg5[%swap3A, %swap3A_18, %swap3A_19], %swap3A_22 {strides = array<i32>} : memref<4x1024x128xf32, #tpu.memory_space<vmem>>, vector<1x1024x128xf32>,
    %get3A_23 = arith.constant 1 : index
    %get3A_24 = arith.constant 0 : index
    %get3A_25 = arith.constant 0 : index
    %get3A_26 = vector.load %arg5[%get3A_23, %get3A_24, %get3A_25] : memref<4x1024x128xf32, #tpu.memory_space<vmem>>, vector<1x1024x128xf32>
    %get3A_27 = vector.shape_cast %get3A_26 : vector<1x1024x128xf32> to vector<1024x128xf32>
    %slice3A_28 = vector.extract_strided_slice %dot_general3A_12 {offsets = [0, 128], sizes = [1024, 128], strides = [1, 1]} : vector<1024x512xf32> to vector<1024x128xf32>
    %add3A_29 = arith.addf %get3A_27, %slice3A_28 : vector<1024x128xf32>
    %swap3A_30 = arith.constant 1 : index
    %swap3A_31 = arith.constant 0 : index
    %swap3A_32 = arith.constant 0 : index
    %swap3A_33 = vector.load %arg5[%swap3A_30, %swap3A_31, %swap3A_32] : memref<4x1024x128xf32, #tpu.memory_space<vmem>>, vector<1x1024x128xf32>
    %swap3A_34 = vector.shape_cast %swap3A_33 : vector<1x1024x128xf32> to vector<1024x128xf32>
    %swap3A_35 = vector.shape_cast %add3A_29 : vector<1024x128xf32> to vector<1x1024x128xf32>
    tpu.vector_store %arg5[%swap3A_30, %swap3A_31, %swap3A_32], %swap3A_35 {strides = array<i32>} : memref<4x1024x128xf32, #tpu.memory_space<vmem>>, vector<1x1024x128xf32>,
    %get3A_36 = arith.constant 2 : index
    %get3A_37 = arith.constant 0 : index
    %get3A_38 = arith.constant 0 : index
    %get3A_39 = vector.load %arg5[%get3A_36, %get3A_37, %get3A_38] : memref<4x1024x128xf32, #tpu.memory_space<vmem>>, vector<1x1024x128xf32>
    %get3A_40 = vector.shape_cast %get3A_39 : vector<1x1024x128xf32> to vector<1024x128xf32>
    %slice3A_41 = vector.extract_strided_slice %dot_general3A_12 {offsets = [0, 256], sizes = [1024, 128], strides = [1, 1]} : vector<1024x512xf32> to vector<1024x128xf32>
    %add3A_42 = arith.addf %get3A_40, %slice3A_41 : vector<1024x128xf32>
    %swap3A_43 = arith.constant 2 : index
    %swap3A_44 = arith.constant 0 : index
    %swap3A_45 = arith.constant 0 : index
    %swap3A_46 = vector.load %arg5[%swap3A_43, %swap3A_44, %swap3A_45] : memref<4x1024x128xf32, #tpu.memory_space<vmem>>, vector<1x1024x128xf32>
    %swap3A_47 = vector.shape_cast %swap3A_46 : vector<1x1024x128xf32> to vector<1024x128xf32>
    %swap3A_48 = vector.shape_cast %add3A_42 : vector<1024x128xf32> to vector<1x1024x128xf32>
    tpu.vector_store %arg5[%swap3A_43, %swap3A_44, %swap3A_45], %swap3A_48 {strides = array<i32>} : memref<4x1024x128xf32, #tpu.memory_space<vmem>>, vector<1x1024x128xf32>,
    %get3A_49 = arith.constant 3 : index
    %get3A_50 = arith.constant 0 : index
    %get3A_51 = arith.constant 0 : index
    %get3A_52 = vector.load %arg5[%get3A_49, %get3A_50, %get3A_51] : memref<4x1024x128xf32, #tpu.memory_space<vmem>>, vector<1x1024x128xf32>
    %get3A_53 = vector.shape_cast %get3A_52 : vector<1x1024x128xf32> to vector<1024x128xf32>
    %slice3A_54 = vector.extract_strided_slice %dot_general3A_12 {offsets = [0, 384], sizes = [1024, 128], strides = [1, 1]} : vector<1024x512xf32> to vector<1024x128xf32>
    %add3A_55 = arith.addf %get3A_53, %slice3A_54 : vector<1024x128xf32>
    %swap3A_56 = arith.constant 3 : index
    %swap3A_57 = arith.constant 0 : index
    %swap3A_58 = arith.constant 0 : index
    %swap3A_59 = vector.load %arg5[%swap3A_56, %swap3A_57, %swap3A_58] : memref<4x1024x128xf32, #tpu.memory_space<vmem>>, vector<1x1024x128xf32>
    %swap3A_60 = vector.shape_cast %swap3A_59 : vector<1x1024x128xf32> to vector<1024x128xf32>
    %swap3A_61 = vector.shape_cast %add3A_55 : vector<1024x128xf32> to vector<1x1024x128xf32>
    tpu.vector_store %arg5[%swap3A_56, %swap3A_57, %swap3A_58], %swap3A_61 {strides = array<i32>} : memref<4x1024x128xf32, #tpu.memory_space<vmem>>, vector<1x1024x128xf32>,
    %eq3A_62 = arith.constant 1 : i32
    %eq3A_63 = arith.cmpi eq, %arg1, %eq3A_62 : i32
    %convert_element_type3A_64 = arith.extui %eq3A_63 : i1 to i32
    %cond3A_65 = arith.constant 0 : i32
    %cond3A_66 = arith.cmpi ne, %convert_element_type3A_64, %cond3A_65 : i32
    scf.if %cond3A_66 {
      %get3A_67 = arith.constant 0 : index
      %get3A_68 = arith.constant 0 : index
      %get3A_69 = arith.constant 0 : index
      %get3A_70 = vector.load %arg5[%get3A_67, %get3A_68, %get3A_69] : memref<4x1024x128xf32, #tpu.memory_space<vmem>>, vector<1x1024x128xf32>
      %get3A_71 = vector.shape_cast %get3A_70 : vector<1x1024x128xf32> to vector<1024x128xf32>
      %get3A_72 = arith.constant 0 : index
      %get3A_73 = arith.constant 0 : index
      %get3A_74 = vector.load %arg4[%get3A_72, %get3A_73] : memref<1x512xf32, #tpu.memory_space<vmem>>, vector<1x128xf32>
      %get3A_75 = vector.shape_cast %get3A_74 : vector<1x128xf32> to vector<128xf32>
      %broadcast_in_dim3A = vector.shape_cast %get3A_75 : vector<128xf32> to vector<1x128xf32>
      %add3A_76 = vector.broadcast %broadcast_in_dim3A : vector<1x128xf32> to vector<1024x128xf32>
      %add3A_77 = arith.addf %get3A_71, %add3A_76 : vector<1024x128xf32>
      %swap3A_78 = arith.constant 0 : index
      %swap3A_79 = arith.constant 0 : index
      %swap3A_80 = arith.constant 0 : index
      %swap3A_81 = vector.load %arg5[%swap3A_78, %swap3A_79, %swap3A_80] : memref<4x1024x128xf32, #tpu.memory_space<vmem>>, vector<1x1024x128xf32>
      %swap3A_82 = vector.shape_cast %swap3A_81 : vector<1x1024x128xf32> to vector<1024x128xf32>
      %swap3A_83 = vector.shape_cast %add3A_77 : vector<1024x128xf32> to vector<1x1024x128xf32>
      tpu.vector_store %arg5[%swap3A_78, %swap3A_79, %swap3A_80], %swap3A_83 {strides = array<i32>} : memref<4x1024x128xf32, #tpu.memory_space<vmem>>, vector<1x1024x128xf32>,
      %get3A_84 = arith.constant 1 : index
      %get3A_85 = arith.constant 0 : index
      %get3A_86 = arith.constant 0 : index
      %get3A_87 = vector.load %arg5[%get3A_84, %get3A_85, %get3A_86] : memref<4x1024x128xf32, #tpu.memory_space<vmem>>, vector<1x1024x128xf32>
      %get3A_88 = vector.shape_cast %get3A_87 : vector<1x1024x128xf32> to vector<1024x128xf32>
      %get3A_89 = arith.constant 0 : index
      %get3A_90 = arith.constant 128 : index
      %get3A_91 = vector.load %arg4[%get3A_89, %get3A_90] : memref<1x512xf32, #tpu.memory_space<vmem>>, vector<1x128xf32>
      %get3A_92 = vector.shape_cast %get3A_91 : vector<1x128xf32> to vector<128xf32>
      %broadcast_in_dim3A_93 = vector.shape_cast %get3A_92 : vector<128xf32> to vector<1x128xf32>
      %add3A_94 = vector.broadcast %broadcast_in_dim3A_93 : vector<1x128xf32> to vector<1024x128xf32>
      %add3A_95 = arith.addf %get3A_88, %add3A_94 : vector<1024x128xf32>
      %swap3A_96 = arith.constant 1 : index
      %swap3A_97 = arith.constant 0 : index
      %swap3A_98 = arith.constant 0 : index
      %swap3A_99 = vector.load %arg5[%swap3A_96, %swap3A_97, %swap3A_98] : memref<4x1024x128xf32, #tpu.memory_space<vmem>>, vector<1x1024x128xf32>
      %swap3A_100 = vector.shape_cast %swap3A_99 : vector<1x1024x128xf32> to vector<1024x128xf32>
      %swap3A_101 = vector.shape_cast %add3A_95 : vector<1024x128xf32> to vector<1x1024x128xf32>
      tpu.vector_store %arg5[%swap3A_96, %swap3A_97, %swap3A_98], %swap3A_101 {strides = array<i32>} : memref<4x1024x128xf32, #tpu.memory_space<vmem>>, vector<1x1024x128xf32>,
      %get3A_102 = arith.constant 2 : index
      %get3A_103 = arith.constant 0 : index
      %get3A_104 = arith.constant 0 : index
      %get3A_105 = vector.load %arg5[%get3A_102, %get3A_103, %get3A_104] : memref<4x1024x128xf32, #tpu.memory_space<vmem>>, vector<1x1024x128xf32>
      %get3A_106 = vector.shape_cast %get3A_105 : vector<1x1024x128xf32> to vector<1024x128xf32>
      %get3A_107 = arith.constant 0 : index
      %get3A_108 = arith.constant 256 : index
      %get3A_109 = vector.load %arg4[%get3A_107, %get3A_108] : memref<1x512xf32, #tpu.memory_space<vmem>>, vector<1x128xf32>
      %get3A_110 = vector.shape_cast %get3A_109 : vector<1x128xf32> to vector<128xf32>
      %broadcast_in_dim3A_111 = vector.shape_cast %get3A_110 : vector<128xf32> to vector<1x128xf32>
      %add3A_112 = vector.broadcast %broadcast_in_dim3A_111 : vector<1x128xf32> to vector<1024x128xf32>
      %add3A_113 = arith.addf %get3A_106, %add3A_112 : vector<1024x128xf32>
      %swap3A_114 = arith.constant 2 : index
      %swap3A_115 = arith.constant 0 : index
      %swap3A_116 = arith.constant 0 : index
      %swap3A_117 = vector.load %arg5[%swap3A_114, %swap3A_115, %swap3A_116] : memref<4x1024x128xf32, #tpu.memory_space<vmem>>, vector<1x1024x128xf32>
      %swap3A_118 = vector.shape_cast %swap3A_117 : vector<1x1024x128xf32> to vector<1024x128xf32>
      %swap3A_119 = vector.shape_cast %add3A_113 : vector<1024x128xf32> to vector<1x1024x128xf32>
      tpu.vector_store %arg5[%swap3A_114, %swap3A_115, %swap3A_116], %swap3A_119 {strides = array<i32>} : memref<4x1024x128xf32, #tpu.memory_space<vmem>>, vector<1x1024x128xf32>,
      %get3A_120 = arith.constant 3 : index
      %get3A_121 = arith.constant 0 : index
      %get3A_122 = arith.constant 0 : index
      %get3A_123 = vector.load %arg5[%get3A_120, %get3A_121, %get3A_122] : memref<4x1024x128xf32, #tpu.memory_space<vmem>>, vector<1x1024x128xf32>
      %get3A_124 = vector.shape_cast %get3A_123 : vector<1x1024x128xf32> to vector<1024x128xf32>
      %get3A_125 = arith.constant 0 : index
      %get3A_126 = arith.constant 384 : index
      %get3A_127 = vector.load %arg4[%get3A_125, %get3A_126] : memref<1x512xf32, #tpu.memory_space<vmem>>, vector<1x128xf32>
      %get3A_128 = vector.shape_cast %get3A_127 : vector<1x128xf32> to vector<128xf32>
      %broadcast_in_dim3A_129 = vector.shape_cast %get3A_128 : vector<128xf32> to vector<1x128xf32>
      %add3A_130 = vector.broadcast %broadcast_in_dim3A_129 : vector<1x128xf32> to vector<1024x128xf32>
      %add3A_131 = arith.addf %get3A_124, %add3A_130 : vector<1024x128xf32>
      %swap3A_132 = arith.constant 3 : index
      %swap3A_133 = arith.constant 0 : index
      %swap3A_134 = arith.constant 0 : index
      %swap3A_135 = vector.load %arg5[%swap3A_132, %swap3A_133, %swap3A_134] : memref<4x1024x128xf32, #tpu.memory_space<vmem>>, vector<1x1024x128xf32>
      %swap3A_136 = vector.shape_cast %swap3A_135 : vector<1x1024x128xf32> to vector<1024x128xf32>
      %swap3A_137 = vector.shape_cast %add3A_131 : vector<1024x128xf32> to vector<1x1024x128xf32>
      tpu.vector_store %arg5[%swap3A_132, %swap3A_133, %swap3A_134], %swap3A_137 {strides = array<i32>} : memref<4x1024x128xf32, #tpu.memory_space<vmem>>, vector<1x1024x128xf32>,
    } else {
    }
    return
  }
  func.func @transform_0(%arg0: i32, %arg1: i32) -> (i32, i32, i32) {
    %c0_i32 = arith.constant 0 : i32
    %c0_i32_0 = arith.constant 0 : i32
    return %arg1, %arg0, %c0_i32 : i32, i32, i32
  }
  func.func @transform_1(%arg0: i32, %arg1: i32) -> (i32, i32, i32) {
    %c0_i32 = arith.constant 0 : i32
    %c0_i32_0 = arith.constant 0 : i32
    %c0_i32_1 = arith.constant 0 : i32
    return %arg1, %c0_i32, %c0_i32_0 : i32, i32, i32
  }
  func.func @transform_2(%arg0: i32, %arg1: i32) -> (i32, i32) {
    %c0_i32 = arith.constant 0 : i32
    %c0_i32_0 = arith.constant 0 : i32
    %c0_i32_1 = arith.constant 0 : i32
    return %c0_i32, %c0_i32_0 : i32, i32
  }
  func.func @transform_3(%arg0: i32, %arg1: i32) -> (i32, i32, i32) {
    %c0_i32 = arith.constant 0 : i32
    %c0_i32_0 = arith.constant 0 : i32
    %c0_i32_1 = arith.constant 0 : i32
    return %c0_i32, %arg0, %c0_i32_0 : i32, i32, i32
  }
}

module attributes {stable_mosaic.version = 14 : i64} {
  func.func @body(%arg0: i32, %arg1: i32, %arg2: memref<2x1x1024x128xf32, #tpu.memory_space<vmem>>, %arg3: memref<2x1x1024x128xf32, #tpu.memory_space<vmem>>, %arg4: memref<4x1024x128xf32, #tpu.memory_space<vmem>>, %arg5: memref<1x128x512xbf16, #tpu.memory_space<vmem>>, %arg6: memref<512x512xbf16, #tpu.memory_space<vmem>>, %arg7: memref<1x512xf32, #tpu.memory_space<vmem>>, %arg8: memref<4x1024x128xf32, #tpu.memory_space<vmem>>, %arg9: memref<4x1024x128xf32, #tpu.memory_space<vmem>>, %arg10: memref<1024x512xf32, #tpu.memory_space<vmem>>) attributes {dimension_semantics = [#tpu.dimension_semantics<parallel>, #tpu.dimension_semantics<arbitrary>], iteration_bounds = array<i64: 10, 2>, scalar_prefetch = 0 : i64, scratch_operands = 1 : i64, tpu.core_type = #tpu.core_type<tc>, window_params = [{transform_indices = @transform_0, window_bounds = array<i64: 2, 1, 1024, 128>}, {transform_indices = @transform_1, window_bounds = array<i64: 2, 1, 1024, 128>}, {transform_indices = @transform_2, window_bounds = array<i64: 4, 1024, 128>}, {transform_indices = @transform_3, window_bounds = array<i64: 1, 128, 512>}, {pipeline_mode = #tpu.pipeline_mode<synchronous>, transform_indices = @transform_4, window_bounds = array<i64: 512, 512>}, {pipeline_mode = #tpu.pipeline_mode<synchronous>, transform_indices = @transform_5, window_bounds = array<i64: 1, 512>}, {transform_indices = @transform_6, window_bounds = array<i64: 4, 1024, 128>}, {transform_indices = @transform_7, window_bounds = array<i64: 4, 1024, 128>}]} {
    %eq3A = arith.constant 0 : i32
    %eq3A_0 = arith.cmpi eq, %arg1, %eq3A : i32
    %convert_element_type3A = arith.extui %eq3A_0 : i1 to i32
    %cond3A = arith.constant 0 : i32
    %cond3A_1 = arith.cmpi ne, %convert_element_type3A, %cond3A : i32
    scf.if %cond3A_1 {
      %broadcast_in_dim3A = arith.constant 0.000000e+00 : f32
      %broadcast_in_dim3A_49 = vector.broadcast %broadcast_in_dim3A : f32 to vector<1024x512xf32>
      %swap3A_50 = arith.constant 0 : index
      %swap3A_51 = arith.constant 0 : index
      %swap3A_52 = vector.load %arg10[%swap3A_50, %swap3A_51] : memref<1024x512xf32, #tpu.memory_space<vmem>>, vector<1024x512xf32>
      tpu.vector_store %arg10[%swap3A_50, %swap3A_51], %broadcast_in_dim3A_49 {strides = array<i32>} : memref<1024x512xf32, #tpu.memory_space<vmem>>, vector<1024x512xf32>,
    } else {
    }
    %get3A = arith.constant 0 : index
    %get3A_2 = arith.constant 0 : index
    %get3A_3 = arith.constant 0 : index
    %get3A_4 = arith.constant 0 : index
    %get3A_5 = vector.load %arg3[%get3A, %get3A_2, %get3A_3, %get3A_4] : memref<2x1x1024x128xf32, #tpu.memory_space<vmem>>, vector<1x1x1024x1xf32>
    %get3A_6 = vector.shape_cast %get3A_5 : vector<1x1x1024x1xf32> to vector<1024x1xf32>
    %get3A_7 = arith.constant 1 : index
    %get3A_8 = arith.constant 0 : index
    %get3A_9 = arith.constant 0 : index
    %get3A_10 = arith.constant 0 : index
    %get3A_11 = vector.load %arg3[%get3A_7, %get3A_8, %get3A_9, %get3A_10] : memref<2x1x1024x128xf32, #tpu.memory_space<vmem>>, vector<1x1x1024x1xf32>
    %get3A_12 = vector.shape_cast %get3A_11 : vector<1x1x1024x1xf32> to vector<1024x1xf32>
    %add3A = arith.addf %get3A_6, %get3A_12 : vector<1024x1xf32>
    %max3A = arith.constant 1.000000e+00 : f32
    %max3A_13 = vector.broadcast %max3A : f32 to vector<1024x1xf32>
    %max3A_14 = arith.maximumf %add3A, %max3A_13 : vector<1024x1xf32>
    %div3A = arith.constant 1.000000e+00 : f32
    %div3A_15 = vector.broadcast %div3A : f32 to vector<1024x1xf32>
    %div3A_16 = arith.divf %div3A_15, %max3A_14 : vector<1024x1xf32>
    %get3A_17 = arith.constant 0 : index
    %get3A_18 = arith.constant 0 : index
    %get3A_19 = arith.constant 0 : index
    %get3A_20 = arith.constant 0 : index
    %get3A_21 = vector.load %arg2[%get3A_17, %get3A_18, %get3A_19, %get3A_20] : memref<2x1x1024x128xf32, #tpu.memory_space<vmem>>, vector<1x1x1024x128xf32>
    %get3A_22 = vector.shape_cast %get3A_21 : vector<1x1x1024x128xf32> to vector<1024x128xf32>
    %get3A_23 = arith.constant 1 : index
    %get3A_24 = arith.constant 0 : index
    %get3A_25 = arith.constant 0 : index
    %get3A_26 = arith.constant 0 : index
    %get3A_27 = vector.load %arg2[%get3A_23, %get3A_24, %get3A_25, %get3A_26] : memref<2x1x1024x128xf32, #tpu.memory_space<vmem>>, vector<1x1x1024x128xf32>
    %get3A_28 = vector.shape_cast %get3A_27 : vector<1x1x1024x128xf32> to vector<1024x128xf32>
    %add3A_29 = arith.addf %get3A_22, %get3A_28 : vector<1024x128xf32>
    %mul3A = vector.broadcast %div3A_16 : vector<1024x1xf32> to vector<1024x128xf32>
    %mul3A_30 = arith.mulf %add3A_29, %mul3A : vector<1024x128xf32>
    %get3A_31 = arith.constant 0 : index
    %get3A_32 = arith.constant 0 : index
    %get3A_33 = vector.load %arg10[%get3A_31, %get3A_32] : memref<1024x512xf32, #tpu.memory_space<vmem>>, vector<1024x512xf32>
    %convert_element_type3A_34 = arith.truncf %mul3A_30 : vector<1024x128xf32> to vector<1024x128xbf16>
    %get3A_35 = arith.constant 0 : index
    %get3A_36 = arith.constant 0 : index
    %get3A_37 = arith.constant 0 : index
    %get3A_38 = vector.load %arg5[%get3A_35, %get3A_36, %get3A_37] : memref<1x128x512xbf16, #tpu.memory_space<vmem>>, vector<1x128x512xbf16>
    %get3A_39 = vector.shape_cast %get3A_38 : vector<1x128x512xbf16> to vector<128x512xbf16>
    %dot_general3A = arith.constant dense<0.000000e+00> : vector<1024x512xf32>
    %dot_general3A_40 = tpu.matmul %convert_element_type3A_34, %get3A_39, %dot_general3A {dimension_numbers = #tpu.dot_dimension_numbers<[1], [0], [0], [1], [0, 0, 1, 1], [], []>, transpose_lhs_hint = false} : vector<1024x128xbf16>, vector<128x512xbf16>, vector<1024x512xf32> -> vector<1024x512xf32>
    %add3A_41 = arith.addf %get3A_33, %dot_general3A_40 : vector<1024x512xf32>
    %swap3A = arith.constant 0 : index
    %swap3A_42 = arith.constant 0 : index
    %swap3A_43 = vector.load %arg10[%swap3A, %swap3A_42] : memref<1024x512xf32, #tpu.memory_space<vmem>>, vector<1024x512xf32>
    tpu.vector_store %arg10[%swap3A, %swap3A_42], %add3A_41 {strides = array<i32>} : memref<1024x512xf32, #tpu.memory_space<vmem>>, vector<1024x512xf32>,
    %eq3A_44 = arith.constant 1 : i32
    %eq3A_45 = arith.cmpi eq, %arg1, %eq3A_44 : i32
    %convert_element_type3A_46 = arith.extui %eq3A_45 : i1 to i32
    %cond3A_47 = arith.constant 0 : i32
    %cond3A_48 = arith.cmpi ne, %convert_element_type3A_46, %cond3A_47 : i32
    scf.if %cond3A_48 {
      %get3A_49 = arith.constant 0 : index
      %get3A_50 = arith.constant 0 : index
      %get3A_51 = vector.load %arg10[%get3A_49, %get3A_50] : memref<1024x512xf32, #tpu.memory_space<vmem>>, vector<1024x128xf32>
      %get3A_52 = arith.constant 0 : index
      %get3A_53 = arith.constant 0 : index
      %get3A_54 = arith.constant 0 : index
      %get3A_55 = vector.load %arg4[%get3A_52, %get3A_53, %get3A_54] : memref<4x1024x128xf32, #tpu.memory_space<vmem>>, vector<1x1024x128xf32>
      %get3A_56 = vector.shape_cast %get3A_55 : vector<1x1024x128xf32> to vector<1024x128xf32>
      %add3A_57 = arith.addf %get3A_51, %get3A_56 : vector<1024x128xf32>
      %max3A_58 = arith.constant 0.000000e+00 : f32
      %max3A_59 = vector.broadcast %max3A_58 : f32 to vector<1024x128xf32>
      %max3A_60 = arith.maximumf %add3A_57, %max3A_59 : vector<1024x128xf32>
      %swap3A_61 = arith.constant 0 : index
      %swap3A_62 = arith.constant 0 : index
      %swap3A_63 = arith.constant 0 : index
      %swap3A_64 = vector.load %arg8[%swap3A_61, %swap3A_62, %swap3A_63] : memref<4x1024x128xf32, #tpu.memory_space<vmem>>, vector<1x1024x128xf32>
      %swap3A_65 = vector.shape_cast %swap3A_64 : vector<1x1024x128xf32> to vector<1024x128xf32>
      %swap3A_66 = vector.shape_cast %max3A_60 : vector<1024x128xf32> to vector<1x1024x128xf32>
      tpu.vector_store %arg8[%swap3A_61, %swap3A_62, %swap3A_63], %swap3A_66 {strides = array<i32>} : memref<4x1024x128xf32, #tpu.memory_space<vmem>>, vector<1x1024x128xf32>,
      %get3A_67 = arith.constant 0 : index
      %get3A_68 = arith.constant 128 : index
      %get3A_69 = vector.load %arg10[%get3A_67, %get3A_68] : memref<1024x512xf32, #tpu.memory_space<vmem>>, vector<1024x128xf32>
      %get3A_70 = arith.constant 1 : index
      %get3A_71 = arith.constant 0 : index
      %get3A_72 = arith.constant 0 : index
      %get3A_73 = vector.load %arg4[%get3A_70, %get3A_71, %get3A_72] : memref<4x1024x128xf32, #tpu.memory_space<vmem>>, vector<1x1024x128xf32>
      %get3A_74 = vector.shape_cast %get3A_73 : vector<1x1024x128xf32> to vector<1024x128xf32>
      %add3A_75 = arith.addf %get3A_69, %get3A_74 : vector<1024x128xf32>
      %max3A_76 = arith.constant 0.000000e+00 : f32
      %max3A_77 = vector.broadcast %max3A_76 : f32 to vector<1024x128xf32>
      %max3A_78 = arith.maximumf %add3A_75, %max3A_77 : vector<1024x128xf32>
      %swap3A_79 = arith.constant 1 : index
      %swap3A_80 = arith.constant 0 : index
      %swap3A_81 = arith.constant 0 : index
      %swap3A_82 = vector.load %arg8[%swap3A_79, %swap3A_80, %swap3A_81] : memref<4x1024x128xf32, #tpu.memory_space<vmem>>, vector<1x1024x128xf32>
      %swap3A_83 = vector.shape_cast %swap3A_82 : vector<1x1024x128xf32> to vector<1024x128xf32>
      %swap3A_84 = vector.shape_cast %max3A_78 : vector<1024x128xf32> to vector<1x1024x128xf32>
      tpu.vector_store %arg8[%swap3A_79, %swap3A_80, %swap3A_81], %swap3A_84 {strides = array<i32>} : memref<4x1024x128xf32, #tpu.memory_space<vmem>>, vector<1x1024x128xf32>,
      %get3A_85 = arith.constant 0 : index
      %get3A_86 = arith.constant 256 : index
      %get3A_87 = vector.load %arg10[%get3A_85, %get3A_86] : memref<1024x512xf32, #tpu.memory_space<vmem>>, vector<1024x128xf32>
      %get3A_88 = arith.constant 2 : index
      %get3A_89 = arith.constant 0 : index
      %get3A_90 = arith.constant 0 : index
      %get3A_91 = vector.load %arg4[%get3A_88, %get3A_89, %get3A_90] : memref<4x1024x128xf32, #tpu.memory_space<vmem>>, vector<1x1024x128xf32>
      %get3A_92 = vector.shape_cast %get3A_91 : vector<1x1024x128xf32> to vector<1024x128xf32>
      %add3A_93 = arith.addf %get3A_87, %get3A_92 : vector<1024x128xf32>
      %max3A_94 = arith.constant 0.000000e+00 : f32
      %max3A_95 = vector.broadcast %max3A_94 : f32 to vector<1024x128xf32>
      %max3A_96 = arith.maximumf %add3A_93, %max3A_95 : vector<1024x128xf32>
      %swap3A_97 = arith.constant 2 : index
      %swap3A_98 = arith.constant 0 : index
      %swap3A_99 = arith.constant 0 : index
      %swap3A_100 = vector.load %arg8[%swap3A_97, %swap3A_98, %swap3A_99] : memref<4x1024x128xf32, #tpu.memory_space<vmem>>, vector<1x1024x128xf32>
      %swap3A_101 = vector.shape_cast %swap3A_100 : vector<1x1024x128xf32> to vector<1024x128xf32>
      %swap3A_102 = vector.shape_cast %max3A_96 : vector<1024x128xf32> to vector<1x1024x128xf32>
      tpu.vector_store %arg8[%swap3A_97, %swap3A_98, %swap3A_99], %swap3A_102 {strides = array<i32>} : memref<4x1024x128xf32, #tpu.memory_space<vmem>>, vector<1x1024x128xf32>,
      %get3A_103 = arith.constant 0 : index
      %get3A_104 = arith.constant 384 : index
      %get3A_105 = vector.load %arg10[%get3A_103, %get3A_104] : memref<1024x512xf32, #tpu.memory_space<vmem>>, vector<1024x128xf32>
      %get3A_106 = arith.constant 3 : index
      %get3A_107 = arith.constant 0 : index
      %get3A_108 = arith.constant 0 : index
      %get3A_109 = vector.load %arg4[%get3A_106, %get3A_107, %get3A_108] : memref<4x1024x128xf32, #tpu.memory_space<vmem>>, vector<1x1024x128xf32>
      %get3A_110 = vector.shape_cast %get3A_109 : vector<1x1024x128xf32> to vector<1024x128xf32>
      %add3A_111 = arith.addf %get3A_105, %get3A_110 : vector<1024x128xf32>
      %max3A_112 = arith.constant 0.000000e+00 : f32
      %max3A_113 = vector.broadcast %max3A_112 : f32 to vector<1024x128xf32>
      %max3A_114 = arith.maximumf %add3A_111, %max3A_113 : vector<1024x128xf32>
      %swap3A_115 = arith.constant 3 : index
      %swap3A_116 = arith.constant 0 : index
      %swap3A_117 = arith.constant 0 : index
      %swap3A_118 = vector.load %arg8[%swap3A_115, %swap3A_116, %swap3A_117] : memref<4x1024x128xf32, #tpu.memory_space<vmem>>, vector<1x1024x128xf32>
      %swap3A_119 = vector.shape_cast %swap3A_118 : vector<1x1024x128xf32> to vector<1024x128xf32>
      %swap3A_120 = vector.shape_cast %max3A_114 : vector<1024x128xf32> to vector<1x1024x128xf32>
      tpu.vector_store %arg8[%swap3A_115, %swap3A_116, %swap3A_117], %swap3A_120 {strides = array<i32>} : memref<4x1024x128xf32, #tpu.memory_space<vmem>>, vector<1x1024x128xf32>,
      %concatenate3A = tpu.concatenate %max3A_60, %max3A_78, %max3A_96, %max3A_114 in 1 : vector<1024x128xf32>, vector<1024x128xf32>, vector<1024x128xf32>, vector<1024x128xf32> -> vector<1024x512xf32>
      %convert_element_type3A_121 = arith.truncf %concatenate3A : vector<1024x512xf32> to vector<1024x512xbf16>
      %get3A_122 = arith.constant 0 : index
      %get3A_123 = arith.constant 0 : index
      %get3A_124 = vector.load %arg6[%get3A_122, %get3A_123] : memref<512x512xbf16, #tpu.memory_space<vmem>>, vector<512x512xbf16>
      %dot_general3A_125 = arith.constant dense<0.000000e+00> : vector<1024x512xf32>
      %dot_general3A_126 = tpu.matmul %convert_element_type3A_121, %get3A_124, %dot_general3A_125 {dimension_numbers = #tpu.dot_dimension_numbers<[1], [0], [0], [1], [0, 0, 1, 1], [], []>, transpose_lhs_hint = false} : vector<1024x512xbf16>, vector<512x512xbf16>, vector<1024x512xf32> -> vector<1024x512xf32>
      %slice3A = vector.extract_strided_slice %dot_general3A_126 {offsets = [0, 0], sizes = [1024, 128], strides = [1, 1]} : vector<1024x512xf32> to vector<1024x128xf32>
      %get3A_127 = arith.constant 0 : index
      %get3A_128 = arith.constant 0 : index
      %get3A_129 = vector.load %arg7[%get3A_127, %get3A_128] : memref<1x512xf32, #tpu.memory_space<vmem>>, vector<1x128xf32>
      %get3A_130 = vector.shape_cast %get3A_129 : vector<1x128xf32> to vector<128xf32>
      %broadcast_in_dim3A = vector.shape_cast %get3A_130 : vector<128xf32> to vector<1x128xf32>
      %add3A_131 = vector.broadcast %broadcast_in_dim3A : vector<1x128xf32> to vector<1024x128xf32>
      %add3A_132 = arith.addf %slice3A, %add3A_131 : vector<1024x128xf32>
      %swap3A_133 = arith.constant 0 : index
      %swap3A_134 = arith.constant 0 : index
      %swap3A_135 = arith.constant 0 : index
      %swap3A_136 = vector.load %arg9[%swap3A_133, %swap3A_134, %swap3A_135] : memref<4x1024x128xf32, #tpu.memory_space<vmem>>, vector<1x1024x128xf32>
      %swap3A_137 = vector.shape_cast %swap3A_136 : vector<1x1024x128xf32> to vector<1024x128xf32>
      %swap3A_138 = vector.shape_cast %add3A_132 : vector<1024x128xf32> to vector<1x1024x128xf32>
      tpu.vector_store %arg9[%swap3A_133, %swap3A_134, %swap3A_135], %swap3A_138 {strides = array<i32>} : memref<4x1024x128xf32, #tpu.memory_space<vmem>>, vector<1x1024x128xf32>,
      %slice3A_139 = vector.extract_strided_slice %dot_general3A_126 {offsets = [0, 128], sizes = [1024, 128], strides = [1, 1]} : vector<1024x512xf32> to vector<1024x128xf32>
      %get3A_140 = arith.constant 0 : index
      %get3A_141 = arith.constant 128 : index
      %get3A_142 = vector.load %arg7[%get3A_140, %get3A_141] : memref<1x512xf32, #tpu.memory_space<vmem>>, vector<1x128xf32>
      %get3A_143 = vector.shape_cast %get3A_142 : vector<1x128xf32> to vector<128xf32>
      %broadcast_in_dim3A_144 = vector.shape_cast %get3A_143 : vector<128xf32> to vector<1x128xf32>
      %add3A_145 = vector.broadcast %broadcast_in_dim3A_144 : vector<1x128xf32> to vector<1024x128xf32>
      %add3A_146 = arith.addf %slice3A_139, %add3A_145 : vector<1024x128xf32>
      %swap3A_147 = arith.constant 1 : index
      %swap3A_148 = arith.constant 0 : index
      %swap3A_149 = arith.constant 0 : index
      %swap3A_150 = vector.load %arg9[%swap3A_147, %swap3A_148, %swap3A_149] : memref<4x1024x128xf32, #tpu.memory_space<vmem>>, vector<1x1024x128xf32>
      %swap3A_151 = vector.shape_cast %swap3A_150 : vector<1x1024x128xf32> to vector<1024x128xf32>
      %swap3A_152 = vector.shape_cast %add3A_146 : vector<1024x128xf32> to vector<1x1024x128xf32>
      tpu.vector_store %arg9[%swap3A_147, %swap3A_148, %swap3A_149], %swap3A_152 {strides = array<i32>} : memref<4x1024x128xf32, #tpu.memory_space<vmem>>, vector<1x1024x128xf32>,
      %slice3A_153 = vector.extract_strided_slice %dot_general3A_126 {offsets = [0, 256], sizes = [1024, 128], strides = [1, 1]} : vector<1024x512xf32> to vector<1024x128xf32>
      %get3A_154 = arith.constant 0 : index
      %get3A_155 = arith.constant 256 : index
      %get3A_156 = vector.load %arg7[%get3A_154, %get3A_155] : memref<1x512xf32, #tpu.memory_space<vmem>>, vector<1x128xf32>
      %get3A_157 = vector.shape_cast %get3A_156 : vector<1x128xf32> to vector<128xf32>
      %broadcast_in_dim3A_158 = vector.shape_cast %get3A_157 : vector<128xf32> to vector<1x128xf32>
      %add3A_159 = vector.broadcast %broadcast_in_dim3A_158 : vector<1x128xf32> to vector<1024x128xf32>
      %add3A_160 = arith.addf %slice3A_153, %add3A_159 : vector<1024x128xf32>
      %swap3A_161 = arith.constant 2 : index
      %swap3A_162 = arith.constant 0 : index
      %swap3A_163 = arith.constant 0 : index
      %swap3A_164 = vector.load %arg9[%swap3A_161, %swap3A_162, %swap3A_163] : memref<4x1024x128xf32, #tpu.memory_space<vmem>>, vector<1x1024x128xf32>
      %swap3A_165 = vector.shape_cast %swap3A_164 : vector<1x1024x128xf32> to vector<1024x128xf32>
      %swap3A_166 = vector.shape_cast %add3A_160 : vector<1024x128xf32> to vector<1x1024x128xf32>
      tpu.vector_store %arg9[%swap3A_161, %swap3A_162, %swap3A_163], %swap3A_166 {strides = array<i32>} : memref<4x1024x128xf32, #tpu.memory_space<vmem>>, vector<1x1024x128xf32>,
      %slice3A_167 = vector.extract_strided_slice %dot_general3A_126 {offsets = [0, 384], sizes = [1024, 128], strides = [1, 1]} : vector<1024x512xf32> to vector<1024x128xf32>
      %get3A_168 = arith.constant 0 : index
      %get3A_169 = arith.constant 384 : index
      %get3A_170 = vector.load %arg7[%get3A_168, %get3A_169] : memref<1x512xf32, #tpu.memory_space<vmem>>, vector<1x128xf32>
      %get3A_171 = vector.shape_cast %get3A_170 : vector<1x128xf32> to vector<128xf32>
      %broadcast_in_dim3A_172 = vector.shape_cast %get3A_171 : vector<128xf32> to vector<1x128xf32>
      %add3A_173 = vector.broadcast %broadcast_in_dim3A_172 : vector<1x128xf32> to vector<1024x128xf32>
      %add3A_174 = arith.addf %slice3A_167, %add3A_173 : vector<1024x128xf32>
      %swap3A_175 = arith.constant 3 : index
      %swap3A_176 = arith.constant 0 : index
      %swap3A_177 = arith.constant 0 : index
      %swap3A_178 = vector.load %arg9[%swap3A_175, %swap3A_176, %swap3A_177] : memref<4x1024x128xf32, #tpu.memory_space<vmem>>, vector<1x1024x128xf32>
      %swap3A_179 = vector.shape_cast %swap3A_178 : vector<1x1024x128xf32> to vector<1024x128xf32>
      %swap3A_180 = vector.shape_cast %add3A_174 : vector<1024x128xf32> to vector<1x1024x128xf32>
      tpu.vector_store %arg9[%swap3A_175, %swap3A_176, %swap3A_177], %swap3A_180 {strides = array<i32>} : memref<4x1024x128xf32, #tpu.memory_space<vmem>>, vector<1x1024x128xf32>,
    } else {
    }
    return
  }
  func.func @transform_0(%arg0: i32, %arg1: i32) -> (i32, i32, i32, i32) {
    %c0_i32 = arith.constant 0 : i32
    %c0_i32_0 = arith.constant 0 : i32
    %c0_i32_1 = arith.constant 0 : i32
    return %c0_i32, %arg1, %arg0, %c0_i32_0 : i32, i32, i32, i32
  }
  func.func @transform_1(%arg0: i32, %arg1: i32) -> (i32, i32, i32, i32) {
    %c0_i32 = arith.constant 0 : i32
    %c2_i32 = arith.constant 2 : i32
    %c0_i32_0 = arith.constant 0 : i32
    %c0_i32_1 = arith.constant 0 : i32
    return %c0_i32, %c2_i32, %arg0, %c0_i32_0 : i32, i32, i32, i32
  }
  func.func @transform_2(%arg0: i32, %arg1: i32) -> (i32, i32, i32) {
    %c0_i32 = arith.constant 0 : i32
    %c0_i32_0 = arith.constant 0 : i32
    %c0_i32_1 = arith.constant 0 : i32
    return %c0_i32, %arg0, %c0_i32_0 : i32, i32, i32
  }
  func.func @transform_3(%arg0: i32, %arg1: i32) -> (i32, i32, i32) {
    %c0_i32 = arith.constant 0 : i32
    %c0_i32_0 = arith.constant 0 : i32
    %c0_i32_1 = arith.constant 0 : i32
    return %arg1, %c0_i32, %c0_i32_0 : i32, i32, i32
  }
  func.func @transform_4(%arg0: i32, %arg1: i32) -> (i32, i32) {
    %c0_i32 = arith.constant 0 : i32
    %c0_i32_0 = arith.constant 0 : i32
    %c0_i32_1 = arith.constant 0 : i32
    return %c0_i32, %c0_i32_0 : i32, i32
  }
  func.func @transform_5(%arg0: i32, %arg1: i32) -> (i32, i32) {
    %c0_i32 = arith.constant 0 : i32
    %c0_i32_0 = arith.constant 0 : i32
    %c0_i32_1 = arith.constant 0 : i32
    return %c0_i32, %c0_i32_0 : i32, i32
  }
  func.func @transform_6(%arg0: i32, %arg1: i32) -> (i32, i32, i32) {
    %c0_i32 = arith.constant 0 : i32
    %c0_i32_0 = arith.constant 0 : i32
    %c0_i32_1 = arith.constant 0 : i32
    return %c0_i32, %arg0, %c0_i32_0 : i32, i32, i32
  }
  func.func @transform_7(%arg0: i32, %arg1: i32) -> (i32, i32, i32) {
    %c0_i32 = arith.constant 0 : i32
    %c0_i32_0 = arith.constant 0 : i32
    %c0_i32_1 = arith.constant 0 : i32
    return %c0_i32, %arg0, %c0_i32_0 : i32, i32, i32
  }
}

module attributes {stable_mosaic.version = 14 : i64} {
  func.func @body(%arg0: i32, %arg1: i32, %arg2: memref<2x1x1024x128xf32, #tpu.memory_space<vmem>>, %arg3: memref<2x1x1024x128xf32, #tpu.memory_space<vmem>>, %arg4: memref<4x1024x128xf32, #tpu.memory_space<vmem>>, %arg5: memref<1x128x512xbf16, #tpu.memory_space<vmem>>, %arg6: memref<512x512xbf16, #tpu.memory_space<vmem>>, %arg7: memref<1x512xf32, #tpu.memory_space<vmem>>, %arg8: memref<4x1024x128xf32, #tpu.memory_space<vmem>>, %arg9: memref<1024x512xf32, #tpu.memory_space<vmem>>) attributes {dimension_semantics = [#tpu.dimension_semantics<parallel>, #tpu.dimension_semantics<arbitrary>], iteration_bounds = array<i64: 10, 4>, scalar_prefetch = 0 : i64, scratch_operands = 1 : i64, tpu.core_type = #tpu.core_type<tc>, window_params = [{transform_indices = @transform_0, window_bounds = array<i64: 2, 1, 1024, 128>}, {transform_indices = @transform_1, window_bounds = array<i64: 2, 1, 1024, 128>}, {transform_indices = @transform_2, window_bounds = array<i64: 4, 1024, 128>}, {transform_indices = @transform_3, window_bounds = array<i64: 1, 128, 512>}, {pipeline_mode = #tpu.pipeline_mode<synchronous>, transform_indices = @transform_4, window_bounds = array<i64: 512, 512>}, {pipeline_mode = #tpu.pipeline_mode<synchronous>, transform_indices = @transform_5, window_bounds = array<i64: 1, 512>}, {transform_indices = @transform_6, window_bounds = array<i64: 4, 1024, 128>}]} {
    %eq3A = arith.constant 0 : i32
    %eq3A_0 = arith.cmpi eq, %arg1, %eq3A : i32
    %convert_element_type3A = arith.extui %eq3A_0 : i1 to i32
    %cond3A = arith.constant 0 : i32
    %cond3A_1 = arith.cmpi ne, %convert_element_type3A, %cond3A : i32
    scf.if %cond3A_1 {
      %broadcast_in_dim3A = arith.constant 0.000000e+00 : f32
      %broadcast_in_dim3A_49 = vector.broadcast %broadcast_in_dim3A : f32 to vector<1024x512xf32>
      %swap3A_50 = arith.constant 0 : index
      %swap3A_51 = arith.constant 0 : index
      %swap3A_52 = vector.load %arg9[%swap3A_50, %swap3A_51] : memref<1024x512xf32, #tpu.memory_space<vmem>>, vector<1024x512xf32>
      tpu.vector_store %arg9[%swap3A_50, %swap3A_51], %broadcast_in_dim3A_49 {strides = array<i32>} : memref<1024x512xf32, #tpu.memory_space<vmem>>, vector<1024x512xf32>,
    } else {
    }
    %get3A = arith.constant 0 : index
    %get3A_2 = arith.constant 0 : index
    %get3A_3 = arith.constant 0 : index
    %get3A_4 = arith.constant 0 : index
    %get3A_5 = vector.load %arg3[%get3A, %get3A_2, %get3A_3, %get3A_4] : memref<2x1x1024x128xf32, #tpu.memory_space<vmem>>, vector<1x1x1024x1xf32>
    %get3A_6 = vector.shape_cast %get3A_5 : vector<1x1x1024x1xf32> to vector<1024x1xf32>
    %get3A_7 = arith.constant 1 : index
    %get3A_8 = arith.constant 0 : index
    %get3A_9 = arith.constant 0 : index
    %get3A_10 = arith.constant 0 : index
    %get3A_11 = vector.load %arg3[%get3A_7, %get3A_8, %get3A_9, %get3A_10] : memref<2x1x1024x128xf32, #tpu.memory_space<vmem>>, vector<1x1x1024x1xf32>
    %get3A_12 = vector.shape_cast %get3A_11 : vector<1x1x1024x1xf32> to vector<1024x1xf32>
    %add3A = arith.addf %get3A_6, %get3A_12 : vector<1024x1xf32>
    %max3A = arith.constant 1.000000e+00 : f32
    %max3A_13 = vector.broadcast %max3A : f32 to vector<1024x1xf32>
    %max3A_14 = arith.maximumf %add3A, %max3A_13 : vector<1024x1xf32>
    %div3A = arith.constant 1.000000e+00 : f32
    %div3A_15 = vector.broadcast %div3A : f32 to vector<1024x1xf32>
    %div3A_16 = arith.divf %div3A_15, %max3A_14 : vector<1024x1xf32>
    %get3A_17 = arith.constant 0 : index
    %get3A_18 = arith.constant 0 : index
    %get3A_19 = arith.constant 0 : index
    %get3A_20 = arith.constant 0 : index
    %get3A_21 = vector.load %arg2[%get3A_17, %get3A_18, %get3A_19, %get3A_20] : memref<2x1x1024x128xf32, #tpu.memory_space<vmem>>, vector<1x1x1024x128xf32>
    %get3A_22 = vector.shape_cast %get3A_21 : vector<1x1x1024x128xf32> to vector<1024x128xf32>
    %get3A_23 = arith.constant 1 : index
    %get3A_24 = arith.constant 0 : index
    %get3A_25 = arith.constant 0 : index
    %get3A_26 = arith.constant 0 : index
    %get3A_27 = vector.load %arg2[%get3A_23, %get3A_24, %get3A_25, %get3A_26] : memref<2x1x1024x128xf32, #tpu.memory_space<vmem>>, vector<1x1x1024x128xf32>
    %get3A_28 = vector.shape_cast %get3A_27 : vector<1x1x1024x128xf32> to vector<1024x128xf32>
    %add3A_29 = arith.addf %get3A_22, %get3A_28 : vector<1024x128xf32>
    %mul3A = vector.broadcast %div3A_16 : vector<1024x1xf32> to vector<1024x128xf32>
    %mul3A_30 = arith.mulf %add3A_29, %mul3A : vector<1024x128xf32>
    %get3A_31 = arith.constant 0 : index
    %get3A_32 = arith.constant 0 : index
    %get3A_33 = vector.load %arg9[%get3A_31, %get3A_32] : memref<1024x512xf32, #tpu.memory_space<vmem>>, vector<1024x512xf32>
    %convert_element_type3A_34 = arith.truncf %mul3A_30 : vector<1024x128xf32> to vector<1024x128xbf16>
    %get3A_35 = arith.constant 0 : index
    %get3A_36 = arith.constant 0 : index
    %get3A_37 = arith.constant 0 : index
    %get3A_38 = vector.load %arg5[%get3A_35, %get3A_36, %get3A_37] : memref<1x128x512xbf16, #tpu.memory_space<vmem>>, vector<1x128x512xbf16>
    %get3A_39 = vector.shape_cast %get3A_38 : vector<1x128x512xbf16> to vector<128x512xbf16>
    %dot_general3A = arith.constant dense<0.000000e+00> : vector<1024x512xf32>
    %dot_general3A_40 = tpu.matmul %convert_element_type3A_34, %get3A_39, %dot_general3A {dimension_numbers = #tpu.dot_dimension_numbers<[1], [0], [0], [1], [0, 0, 1, 1], [], []>, transpose_lhs_hint = false} : vector<1024x128xbf16>, vector<128x512xbf16>, vector<1024x512xf32> -> vector<1024x512xf32>
    %add3A_41 = arith.addf %get3A_33, %dot_general3A_40 : vector<1024x512xf32>
    %swap3A = arith.constant 0 : index
    %swap3A_42 = arith.constant 0 : index
    %swap3A_43 = vector.load %arg9[%swap3A, %swap3A_42] : memref<1024x512xf32, #tpu.memory_space<vmem>>, vector<1024x512xf32>
    tpu.vector_store %arg9[%swap3A, %swap3A_42], %add3A_41 {strides = array<i32>} : memref<1024x512xf32, #tpu.memory_space<vmem>>, vector<1024x512xf32>,
    %eq3A_44 = arith.constant 3 : i32
    %eq3A_45 = arith.cmpi eq, %arg1, %eq3A_44 : i32
    %convert_element_type3A_46 = arith.extui %eq3A_45 : i1 to i32
    %cond3A_47 = arith.constant 0 : i32
    %cond3A_48 = arith.cmpi ne, %convert_element_type3A_46, %cond3A_47 : i32
    scf.if %cond3A_48 {
      %get3A_49 = arith.constant 0 : index
      %get3A_50 = arith.constant 0 : index
      %get3A_51 = vector.load %arg9[%get3A_49, %get3A_50] : memref<1024x512xf32, #tpu.memory_space<vmem>>, vector<1024x128xf32>
      %get3A_52 = arith.constant 0 : index
      %get3A_53 = arith.constant 0 : index
      %get3A_54 = arith.constant 0 : index
      %get3A_55 = vector.load %arg4[%get3A_52, %get3A_53, %get3A_54] : memref<4x1024x128xf32, #tpu.memory_space<vmem>>, vector<1x1024x128xf32>
      %get3A_56 = vector.shape_cast %get3A_55 : vector<1x1024x128xf32> to vector<1024x128xf32>
      %add3A_57 = arith.addf %get3A_51, %get3A_56 : vector<1024x128xf32>
      %max3A_58 = arith.constant 0.000000e+00 : f32
      %max3A_59 = vector.broadcast %max3A_58 : f32 to vector<1024x128xf32>
      %max3A_60 = arith.maximumf %add3A_57, %max3A_59 : vector<1024x128xf32>
      %get3A_61 = arith.constant 0 : index
      %get3A_62 = arith.constant 128 : index
      %get3A_63 = vector.load %arg9[%get3A_61, %get3A_62] : memref<1024x512xf32, #tpu.memory_space<vmem>>, vector<1024x128xf32>
      %get3A_64 = arith.constant 1 : index
      %get3A_65 = arith.constant 0 : index
      %get3A_66 = arith.constant 0 : index
      %get3A_67 = vector.load %arg4[%get3A_64, %get3A_65, %get3A_66] : memref<4x1024x128xf32, #tpu.memory_space<vmem>>, vector<1x1024x128xf32>
      %get3A_68 = vector.shape_cast %get3A_67 : vector<1x1024x128xf32> to vector<1024x128xf32>
      %add3A_69 = arith.addf %get3A_63, %get3A_68 : vector<1024x128xf32>
      %max3A_70 = arith.constant 0.000000e+00 : f32
      %max3A_71 = vector.broadcast %max3A_70 : f32 to vector<1024x128xf32>
      %max3A_72 = arith.maximumf %add3A_69, %max3A_71 : vector<1024x128xf32>
      %get3A_73 = arith.constant 0 : index
      %get3A_74 = arith.constant 256 : index
      %get3A_75 = vector.load %arg9[%get3A_73, %get3A_74] : memref<1024x512xf32, #tpu.memory_space<vmem>>, vector<1024x128xf32>
      %get3A_76 = arith.constant 2 : index
      %get3A_77 = arith.constant 0 : index
      %get3A_78 = arith.constant 0 : index
      %get3A_79 = vector.load %arg4[%get3A_76, %get3A_77, %get3A_78] : memref<4x1024x128xf32, #tpu.memory_space<vmem>>, vector<1x1024x128xf32>
      %get3A_80 = vector.shape_cast %get3A_79 : vector<1x1024x128xf32> to vector<1024x128xf32>
      %add3A_81 = arith.addf %get3A_75, %get3A_80 : vector<1024x128xf32>
      %max3A_82 = arith.constant 0.000000e+00 : f32
      %max3A_83 = vector.broadcast %max3A_82 : f32 to vector<1024x128xf32>
      %max3A_84 = arith.maximumf %add3A_81, %max3A_83 : vector<1024x128xf32>
      %get3A_85 = arith.constant 0 : index
      %get3A_86 = arith.constant 384 : index
      %get3A_87 = vector.load %arg9[%get3A_85, %get3A_86] : memref<1024x512xf32, #tpu.memory_space<vmem>>, vector<1024x128xf32>
      %get3A_88 = arith.constant 3 : index
      %get3A_89 = arith.constant 0 : index
      %get3A_90 = arith.constant 0 : index
      %get3A_91 = vector.load %arg4[%get3A_88, %get3A_89, %get3A_90] : memref<4x1024x128xf32, #tpu.memory_space<vmem>>, vector<1x1024x128xf32>
      %get3A_92 = vector.shape_cast %get3A_91 : vector<1x1024x128xf32> to vector<1024x128xf32>
      %add3A_93 = arith.addf %get3A_87, %get3A_92 : vector<1024x128xf32>
      %max3A_94 = arith.constant 0.000000e+00 : f32
      %max3A_95 = vector.broadcast %max3A_94 : f32 to vector<1024x128xf32>
      %max3A_96 = arith.maximumf %add3A_93, %max3A_95 : vector<1024x128xf32>
      %concatenate3A = tpu.concatenate %max3A_60, %max3A_72, %max3A_84, %max3A_96 in 1 : vector<1024x128xf32>, vector<1024x128xf32>, vector<1024x128xf32>, vector<1024x128xf32> -> vector<1024x512xf32>
      %convert_element_type3A_97 = arith.truncf %concatenate3A : vector<1024x512xf32> to vector<1024x512xbf16>
      %get3A_98 = arith.constant 0 : index
      %get3A_99 = arith.constant 0 : index
      %get3A_100 = vector.load %arg6[%get3A_98, %get3A_99] : memref<512x512xbf16, #tpu.memory_space<vmem>>, vector<512x512xbf16>
      %dot_general3A_101 = arith.constant dense<0.000000e+00> : vector<1024x512xf32>
      %dot_general3A_102 = tpu.matmul %convert_element_type3A_97, %get3A_100, %dot_general3A_101 {dimension_numbers = #tpu.dot_dimension_numbers<[1], [0], [0], [1], [0, 0, 1, 1], [], []>, transpose_lhs_hint = false} : vector<1024x512xbf16>, vector<512x512xbf16>, vector<1024x512xf32> -> vector<1024x512xf32>
      %slice3A = vector.extract_strided_slice %dot_general3A_102 {offsets = [0, 0], sizes = [1024, 128], strides = [1, 1]} : vector<1024x512xf32> to vector<1024x128xf32>
      %get3A_103 = arith.constant 0 : index
      %get3A_104 = arith.constant 0 : index
      %get3A_105 = vector.load %arg7[%get3A_103, %get3A_104] : memref<1x512xf32, #tpu.memory_space<vmem>>, vector<1x128xf32>
      %get3A_106 = vector.shape_cast %get3A_105 : vector<1x128xf32> to vector<128xf32>
      %broadcast_in_dim3A = vector.shape_cast %get3A_106 : vector<128xf32> to vector<1x128xf32>
      %add3A_107 = vector.broadcast %broadcast_in_dim3A : vector<1x128xf32> to vector<1024x128xf32>
      %add3A_108 = arith.addf %slice3A, %add3A_107 : vector<1024x128xf32>
      %swap3A_109 = arith.constant 0 : index
      %swap3A_110 = arith.constant 0 : index
      %swap3A_111 = arith.constant 0 : index
      %swap3A_112 = vector.load %arg8[%swap3A_109, %swap3A_110, %swap3A_111] : memref<4x1024x128xf32, #tpu.memory_space<vmem>>, vector<1x1024x128xf32>
      %swap3A_113 = vector.shape_cast %swap3A_112 : vector<1x1024x128xf32> to vector<1024x128xf32>
      %swap3A_114 = vector.shape_cast %add3A_108 : vector<1024x128xf32> to vector<1x1024x128xf32>
      tpu.vector_store %arg8[%swap3A_109, %swap3A_110, %swap3A_111], %swap3A_114 {strides = array<i32>} : memref<4x1024x128xf32, #tpu.memory_space<vmem>>, vector<1x1024x128xf32>,
      %slice3A_115 = vector.extract_strided_slice %dot_general3A_102 {offsets = [0, 128], sizes = [1024, 128], strides = [1, 1]} : vector<1024x512xf32> to vector<1024x128xf32>
      %get3A_116 = arith.constant 0 : index
      %get3A_117 = arith.constant 128 : index
      %get3A_118 = vector.load %arg7[%get3A_116, %get3A_117] : memref<1x512xf32, #tpu.memory_space<vmem>>, vector<1x128xf32>
      %get3A_119 = vector.shape_cast %get3A_118 : vector<1x128xf32> to vector<128xf32>
      %broadcast_in_dim3A_120 = vector.shape_cast %get3A_119 : vector<128xf32> to vector<1x128xf32>
      %add3A_121 = vector.broadcast %broadcast_in_dim3A_120 : vector<1x128xf32> to vector<1024x128xf32>
      %add3A_122 = arith.addf %slice3A_115, %add3A_121 : vector<1024x128xf32>
      %swap3A_123 = arith.constant 1 : index
      %swap3A_124 = arith.constant 0 : index
      %swap3A_125 = arith.constant 0 : index
      %swap3A_126 = vector.load %arg8[%swap3A_123, %swap3A_124, %swap3A_125] : memref<4x1024x128xf32, #tpu.memory_space<vmem>>, vector<1x1024x128xf32>
      %swap3A_127 = vector.shape_cast %swap3A_126 : vector<1x1024x128xf32> to vector<1024x128xf32>
      %swap3A_128 = vector.shape_cast %add3A_122 : vector<1024x128xf32> to vector<1x1024x128xf32>
      tpu.vector_store %arg8[%swap3A_123, %swap3A_124, %swap3A_125], %swap3A_128 {strides = array<i32>} : memref<4x1024x128xf32, #tpu.memory_space<vmem>>, vector<1x1024x128xf32>,
      %slice3A_129 = vector.extract_strided_slice %dot_general3A_102 {offsets = [0, 256], sizes = [1024, 128], strides = [1, 1]} : vector<1024x512xf32> to vector<1024x128xf32>
      %get3A_130 = arith.constant 0 : index
      %get3A_131 = arith.constant 256 : index
      %get3A_132 = vector.load %arg7[%get3A_130, %get3A_131] : memref<1x512xf32, #tpu.memory_space<vmem>>, vector<1x128xf32>
      %get3A_133 = vector.shape_cast %get3A_132 : vector<1x128xf32> to vector<128xf32>
      %broadcast_in_dim3A_134 = vector.shape_cast %get3A_133 : vector<128xf32> to vector<1x128xf32>
      %add3A_135 = vector.broadcast %broadcast_in_dim3A_134 : vector<1x128xf32> to vector<1024x128xf32>
      %add3A_136 = arith.addf %slice3A_129, %add3A_135 : vector<1024x128xf32>
      %swap3A_137 = arith.constant 2 : index
      %swap3A_138 = arith.constant 0 : index
      %swap3A_139 = arith.constant 0 : index
      %swap3A_140 = vector.load %arg8[%swap3A_137, %swap3A_138, %swap3A_139] : memref<4x1024x128xf32, #tpu.memory_space<vmem>>, vector<1x1024x128xf32>
      %swap3A_141 = vector.shape_cast %swap3A_140 : vector<1x1024x128xf32> to vector<1024x128xf32>
      %swap3A_142 = vector.shape_cast %add3A_136 : vector<1024x128xf32> to vector<1x1024x128xf32>
      tpu.vector_store %arg8[%swap3A_137, %swap3A_138, %swap3A_139], %swap3A_142 {strides = array<i32>} : memref<4x1024x128xf32, #tpu.memory_space<vmem>>, vector<1x1024x128xf32>,
      %slice3A_143 = vector.extract_strided_slice %dot_general3A_102 {offsets = [0, 384], sizes = [1024, 128], strides = [1, 1]} : vector<1024x512xf32> to vector<1024x128xf32>
      %get3A_144 = arith.constant 0 : index
      %get3A_145 = arith.constant 384 : index
      %get3A_146 = vector.load %arg7[%get3A_144, %get3A_145] : memref<1x512xf32, #tpu.memory_space<vmem>>, vector<1x128xf32>
      %get3A_147 = vector.shape_cast %get3A_146 : vector<1x128xf32> to vector<128xf32>
      %broadcast_in_dim3A_148 = vector.shape_cast %get3A_147 : vector<128xf32> to vector<1x128xf32>
      %add3A_149 = vector.broadcast %broadcast_in_dim3A_148 : vector<1x128xf32> to vector<1024x128xf32>
      %add3A_150 = arith.addf %slice3A_143, %add3A_149 : vector<1024x128xf32>
      %swap3A_151 = arith.constant 3 : index
      %swap3A_152 = arith.constant 0 : index
      %swap3A_153 = arith.constant 0 : index
      %swap3A_154 = vector.load %arg8[%swap3A_151, %swap3A_152, %swap3A_153] : memref<4x1024x128xf32, #tpu.memory_space<vmem>>, vector<1x1024x128xf32>
      %swap3A_155 = vector.shape_cast %swap3A_154 : vector<1x1024x128xf32> to vector<1024x128xf32>
      %swap3A_156 = vector.shape_cast %add3A_150 : vector<1024x128xf32> to vector<1x1024x128xf32>
      tpu.vector_store %arg8[%swap3A_151, %swap3A_152, %swap3A_153], %swap3A_156 {strides = array<i32>} : memref<4x1024x128xf32, #tpu.memory_space<vmem>>, vector<1x1024x128xf32>,
    } else {
    }
    return
  }
  func.func @transform_0(%arg0: i32, %arg1: i32) -> (i32, i32, i32, i32) {
    %c0_i32 = arith.constant 0 : i32
    %c0_i32_0 = arith.constant 0 : i32
    %c0_i32_1 = arith.constant 0 : i32
    return %c0_i32, %arg1, %arg0, %c0_i32_0 : i32, i32, i32, i32
  }
  func.func @transform_1(%arg0: i32, %arg1: i32) -> (i32, i32, i32, i32) {
    %c0_i32 = arith.constant 0 : i32
    %c2_i32 = arith.constant 2 : i32
    %c0_i32_0 = arith.constant 0 : i32
    %c0_i32_1 = arith.constant 0 : i32
    return %c0_i32, %c2_i32, %arg0, %c0_i32_0 : i32, i32, i32, i32
  }
  func.func @transform_2(%arg0: i32, %arg1: i32) -> (i32, i32, i32) {
    %c0_i32 = arith.constant 0 : i32
    %c0_i32_0 = arith.constant 0 : i32
    %c0_i32_1 = arith.constant 0 : i32
    return %c0_i32, %arg0, %c0_i32_0 : i32, i32, i32
  }
  func.func @transform_3(%arg0: i32, %arg1: i32) -> (i32, i32, i32) {
    %c0_i32 = arith.constant 0 : i32
    %c0_i32_0 = arith.constant 0 : i32
    %c0_i32_1 = arith.constant 0 : i32
    return %arg1, %c0_i32, %c0_i32_0 : i32, i32, i32
  }
  func.func @transform_4(%arg0: i32, %arg1: i32) -> (i32, i32) {
    %c0_i32 = arith.constant 0 : i32
    %c0_i32_0 = arith.constant 0 : i32
    %c0_i32_1 = arith.constant 0 : i32
    return %c0_i32, %c0_i32_0 : i32, i32
  }
  func.func @transform_5(%arg0: i32, %arg1: i32) -> (i32, i32) {
    %c0_i32 = arith.constant 0 : i32
    %c0_i32_0 = arith.constant 0 : i32
    %c0_i32_1 = arith.constant 0 : i32
    return %c0_i32, %c0_i32_0 : i32, i32
  }
  func.func @transform_6(%arg0: i32, %arg1: i32) -> (i32, i32, i32) {
    %c0_i32 = arith.constant 0 : i32
    %c0_i32_0 = arith.constant 0 : i32
    %c0_i32_1 = arith.constant 0 : i32
    return %c0_i32, %arg0, %c0_i32_0 : i32, i32, i32
  }
}

module attributes {stable_mosaic.version = 14 : i64} {
  func.func @body(%arg0: i32, %arg1: memref<2x2x1024x128xf32, #tpu.memory_space<vmem>>, %arg2: memref<2x1x1024x128xf32, #tpu.memory_space<vmem>>, %arg3: memref<2x1024x128xf32, #tpu.memory_space<vmem>>, %arg4: memref<1024x256xf32, #tpu.memory_space<vmem>>, %arg5: memref<1024x256xf32, #tpu.memory_space<vmem>>) attributes {dimension_semantics = [#tpu.dimension_semantics<parallel>], iteration_bounds = array<i64: 10>, scalar_prefetch = 0 : i64, scratch_operands = 0 : i64, tpu.core_type = #tpu.core_type<tc>, window_params = [{transform_indices = @transform_0, window_bounds = array<i64: 2, 2, 1024, 128>}, {transform_indices = @transform_1, window_bounds = array<i64: 2, 1, 1024, 128>}, {transform_indices = @transform_2, window_bounds = array<i64: 2, 1024, 128>}, {transform_indices = @transform_3, window_bounds = array<i64: 1024, 256>}, {transform_indices = @transform_4, window_bounds = array<i64: 1024, 256>}]} {
    %get3A = arith.constant 0 : index
    %get3A_0 = arith.constant 0 : index
    %get3A_1 = arith.constant 0 : index
    %get3A_2 = arith.constant 0 : index
    %get3A_3 = vector.load %arg2[%get3A, %get3A_0, %get3A_1, %get3A_2] : memref<2x1x1024x128xf32, #tpu.memory_space<vmem>>, vector<1x1x1024x1xf32>
    %get3A_4 = vector.shape_cast %get3A_3 : vector<1x1x1024x1xf32> to vector<1024x1xf32>
    %get3A_5 = arith.constant 1 : index
    %get3A_6 = arith.constant 0 : index
    %get3A_7 = arith.constant 0 : index
    %get3A_8 = arith.constant 0 : index
    %get3A_9 = vector.load %arg2[%get3A_5, %get3A_6, %get3A_7, %get3A_8] : memref<2x1x1024x128xf32, #tpu.memory_space<vmem>>, vector<1x1x1024x1xf32>
    %get3A_10 = vector.shape_cast %get3A_9 : vector<1x1x1024x1xf32> to vector<1024x1xf32>
    %add3A = arith.addf %get3A_4, %get3A_10 : vector<1024x1xf32>
    %max3A = arith.constant 1.000000e+00 : f32
    %max3A_11 = vector.broadcast %max3A : f32 to vector<1024x1xf32>
    %max3A_12 = arith.maximumf %add3A, %max3A_11 : vector<1024x1xf32>
    %div3A = arith.constant 1.000000e+00 : f32
    %div3A_13 = vector.broadcast %div3A : f32 to vector<1024x1xf32>
    %div3A_14 = arith.divf %div3A_13, %max3A_12 : vector<1024x1xf32>
    %get3A_15 = arith.constant 0 : index
    %get3A_16 = arith.constant 0 : index
    %get3A_17 = arith.constant 0 : index
    %get3A_18 = arith.constant 0 : index
    %get3A_19 = vector.load %arg1[%get3A_15, %get3A_16, %get3A_17, %get3A_18] : memref<2x2x1024x128xf32, #tpu.memory_space<vmem>>, vector<1x1x1024x128xf32>
    %get3A_20 = vector.shape_cast %get3A_19 : vector<1x1x1024x128xf32> to vector<1024x128xf32>
    %get3A_21 = arith.constant 1 : index
    %get3A_22 = arith.constant 0 : index
    %get3A_23 = arith.constant 0 : index
    %get3A_24 = arith.constant 0 : index
    %get3A_25 = vector.load %arg1[%get3A_21, %get3A_22, %get3A_23, %get3A_24] : memref<2x2x1024x128xf32, #tpu.memory_space<vmem>>, vector<1x1x1024x128xf32>
    %get3A_26 = vector.shape_cast %get3A_25 : vector<1x1x1024x128xf32> to vector<1024x128xf32>
    %add3A_27 = arith.addf %get3A_20, %get3A_26 : vector<1024x128xf32>
    %mul3A = vector.broadcast %div3A_14 : vector<1024x1xf32> to vector<1024x128xf32>
    %mul3A_28 = arith.mulf %add3A_27, %mul3A : vector<1024x128xf32>
    %get3A_29 = arith.constant 0 : index
    %get3A_30 = arith.constant 1 : index
    %get3A_31 = arith.constant 0 : index
    %get3A_32 = arith.constant 0 : index
    %get3A_33 = vector.load %arg1[%get3A_29, %get3A_30, %get3A_31, %get3A_32] : memref<2x2x1024x128xf32, #tpu.memory_space<vmem>>, vector<1x1x1024x128xf32>
    %get3A_34 = vector.shape_cast %get3A_33 : vector<1x1x1024x128xf32> to vector<1024x128xf32>
    %get3A_35 = arith.constant 1 : index
    %get3A_36 = arith.constant 1 : index
    %get3A_37 = arith.constant 0 : index
    %get3A_38 = arith.constant 0 : index
    %get3A_39 = vector.load %arg1[%get3A_35, %get3A_36, %get3A_37, %get3A_38] : memref<2x2x1024x128xf32, #tpu.memory_space<vmem>>, vector<1x1x1024x128xf32>
    %get3A_40 = vector.shape_cast %get3A_39 : vector<1x1x1024x128xf32> to vector<1024x128xf32>
    %add3A_41 = arith.addf %get3A_34, %get3A_40 : vector<1024x128xf32>
    %mul3A_42 = vector.broadcast %div3A_14 : vector<1024x1xf32> to vector<1024x128xf32>
    %mul3A_43 = arith.mulf %add3A_41, %mul3A_42 : vector<1024x128xf32>
    %concatenate3A = tpu.concatenate %mul3A_28, %mul3A_43 in 1 : vector<1024x128xf32>, vector<1024x128xf32> -> vector<1024x256xf32>
    %get3A_44 = arith.constant 0 : index
    %get3A_45 = arith.constant 0 : index
    %get3A_46 = arith.constant 0 : index
    %get3A_47 = vector.load %arg3[%get3A_44, %get3A_45, %get3A_46] : memref<2x1024x128xf32, #tpu.memory_space<vmem>>, vector<1x1024x128xf32>
    %get3A_48 = vector.shape_cast %get3A_47 : vector<1x1024x128xf32> to vector<1024x128xf32>
    %get3A_49 = arith.constant 1 : index
    %get3A_50 = arith.constant 0 : index
    %get3A_51 = arith.constant 0 : index
    %get3A_52 = vector.load %arg3[%get3A_49, %get3A_50, %get3A_51] : memref<2x1024x128xf32, #tpu.memory_space<vmem>>, vector<1x1024x128xf32>
    %get3A_53 = vector.shape_cast %get3A_52 : vector<1x1024x128xf32> to vector<1024x128xf32>
    %concatenate3A_54 = tpu.concatenate %get3A_48, %get3A_53 in 1 : vector<1024x128xf32>, vector<1024x128xf32> -> vector<1024x256xf32>
    %add3A_55 = arith.addf %concatenate3A, %concatenate3A_54 : vector<1024x256xf32>
    %swap3A = arith.constant 0 : index
    %swap3A_56 = arith.constant 0 : index
    %swap3A_57 = vector.load %arg4[%swap3A, %swap3A_56] : memref<1024x256xf32, #tpu.memory_space<vmem>>, vector<1024x256xf32>
    tpu.vector_store %arg4[%swap3A, %swap3A_56], %add3A_55 {strides = array<i32>} : memref<1024x256xf32, #tpu.memory_space<vmem>>, vector<1024x256xf32>,
    %logistic3A = arith.negf %add3A_55 : vector<1024x256xf32>
    %logistic3A_58 = math.exp %logistic3A : vector<1024x256xf32>
    %logistic3A_59 = arith.constant 1.000000e+00 : f32
    %logistic3A_60 = vector.broadcast %logistic3A_59 : f32 to vector<1024x256xf32>
    %logistic3A_61 = arith.addf %logistic3A_60, %logistic3A_58 : vector<1024x256xf32>
    %logistic3A_62 = arith.divf %logistic3A_60, %logistic3A_61 : vector<1024x256xf32>
    %swap3A_63 = arith.constant 0 : index
    %swap3A_64 = arith.constant 0 : index
    %swap3A_65 = vector.load %arg5[%swap3A_63, %swap3A_64] : memref<1024x256xf32, #tpu.memory_space<vmem>>, vector<1024x256xf32>
    tpu.vector_store %arg5[%swap3A_63, %swap3A_64], %logistic3A_62 {strides = array<i32>} : memref<1024x256xf32, #tpu.memory_space<vmem>>, vector<1024x256xf32>,
    return
  }
  func.func @transform_0(%arg0: i32) -> (i32, i32, i32, i32) {
    %c0_i32 = arith.constant 0 : i32
    %c0_i32_0 = arith.constant 0 : i32
    %c0_i32_1 = arith.constant 0 : i32
    %c0_i32_2 = arith.constant 0 : i32
    return %c0_i32, %c0_i32_0, %arg0, %c0_i32_1 : i32, i32, i32, i32
  }
  func.func @transform_1(%arg0: i32) -> (i32, i32, i32, i32) {
    %c0_i32 = arith.constant 0 : i32
    %c2_i32 = arith.constant 2 : i32
    %c0_i32_0 = arith.constant 0 : i32
    %c0_i32_1 = arith.constant 0 : i32
    return %c0_i32, %c2_i32, %arg0, %c0_i32_0 : i32, i32, i32, i32
  }
  func.func @transform_2(%arg0: i32) -> (i32, i32, i32) {
    %c1_i32 = arith.constant 1 : i32
    %c0_i32 = arith.constant 0 : i32
    %c0_i32_0 = arith.constant 0 : i32
    return %c1_i32, %arg0, %c0_i32 : i32, i32, i32
  }
  func.func @transform_3(%arg0: i32) -> (i32, i32) {
    %c0_i32 = arith.constant 0 : i32
    %c0_i32_0 = arith.constant 0 : i32
    return %arg0, %c0_i32 : i32, i32
  }
  func.func @transform_4(%arg0: i32) -> (i32, i32) {
    %c0_i32 = arith.constant 0 : i32
    %c0_i32_0 = arith.constant 0 : i32
    return %arg0, %c0_i32 : i32, i32
  }
}

</mosaic_0001>

<sc_bundles>
// kernel: kernel.12.cloned.1.call-start
scs
__scs_entry_jumppad:
0x0: {  	(pc) =	sbr.rel $0x88, $3  }
0x1: {  	(tag) =	ssettag $0x0;
	lr =	simm.s32 $0x1  }
0x2: {  	[smem:$0x3F96] =	sst lr;
	_ =	strace $0xD0000000  }
0x3: {  	_ = 	snop  }
0x4: {  	_ = 	snop  }
0x5: {  	_ = 	snop  }
0x6: {  	_ = 	snop  }
0x7: {  	_ = 	snop  }
__scs_overlays_trampoline_lowered:
0x8: {  	[smem:$0x3FA5] =	sst s0  }
0x9: {  	[smem:$0x3FA6] =	sst s1  }
0xa: {  	[smem:$0x3FA7] =	sst s2  }
0xb: {  	[smem:$0x3FA8] =	sst s3  }
0xc: {  	[smem:$0x3FA9] =	sst s4  }
0xd: {  	[smem:$0x3FAA] =	sst s5  }
0xe: {  	[smem:$0x3FAB] =	sst s6  }
0xf: {  	[smem:$0x3FAC] =	sst s7  }
0x10: {  	[smem:$0x3FAD] =	sst s8  }
0x11: {  	[smem:$0x3FAE] =	sst s9;
	s0 =	simm.s32 @!p0 $0x0  }
0x12: {  	s1 =	sld [smem:$0x3F94];
	s0 =	simm.s32 @p0 $0x1  }
0x13: {  	[smem:$0x3FAF] =	sst s0;
	s0 =	simm.s32 @!p1 $0x0  }
0x14: {  	s2 =	sld [smem:$0x3F93];
	s0 =	simm.s32 @p1 $0x1  }
0x15: {  	[smem:$0x3FB0] =	sst s0;
	s0 =	simm.s32 @!p2 $0x0  }
0x16: {  	s3 =	sld [smem:$0x3FDB];
	s0 =	simm.s32 @p2 $0x1  }
0x17: {  	s4 =	simm.s32 $0x1BF5;
	[smem:$0x3FB2] =	sst s0  }
0x18: {  	s0 =	sld [smem:$0x3F95];
	_ =	swait.ge [sflag:s4], $0x0  }
0x19: {  	s7 =	sld [smem:$0x3F96]  }
0x1a: {  	s8 =	sadd.s32 $0xFFFFE003, lr  }
0x1b: {  	s9 =	sadd.s32 $0xFFFFFEF7, lr;
	s5 =	simm.s32 $0xFFFFFFFF;
	p2 =	slt.u32 s8, $0xFFFFF086  }
0x1c: {  	p1 =	slt.u32 s9, $0xF7A;
	s5 =	simm.s32 @!p2 $0x0  }
0x1d: {  	s5 =	simm.s32 @p1 $0x1;
	p0 =	seq.s32 s7, s2  }
0x1e: {  	s7 =	smul.u32 @!p0 $0xF7A, s2;
	p2 =	seq.s32 @!p0 s5, $0x0  }
0x1f: {  	s9 =	smul.u32 $0xF7A, s1;
	s8 =	simm.s32 @!p0 $0x1BF5;
	p2 =	por !p2, p0  }
0x20: {  	[sflag:s8] =	ssyncset.s32 @!p0 $0xFFFFF086;
	s6 =	sadd.s32 @!p0 s3, s7;
	s7 =	simm.s32 @!p0 $0x108  }
0x21: {  	s3 =	sadd.s32 s3, s9;
	s6 =	sadd.s32 @!p0 $0x88, s6;
	s7 =	simm.s32 @p2 $0x1082  }
0x22: {  	[simem:s7], [sflag:s8] =	dma.local @!p0 [hbm:s6], $0xF7A  }
0x23: {  	s9 =	sor.u32 $0xD0000000, s2;
	s6 =	simm.s32 $0x108;
	_ =	swait.ge @!p0 [sflag:s8], $0x0  }
0x24: {  	s3 =	sadd.s32 $0x88, s3;
	s6 =	simm.s32 @!p1 $0x1082;
	[sflag:s4] =	ssyncset.s32 $0xFFFFF086  }
0x25: {  	[simem:s6], [sflag:s4] =	dma.local [hbm:s3], $0xF7A  }
0x26: {  	[smem:$0x3F96] =	sst s1;
	(tag) =	ssettag s2;
	_ =	strace s9  }
0x27: {  	s1 =	sld [smem:$0x3FA6]  }
0x28: {  	s2 =	sld [smem:$0x3FA7]  }
0x29: {  	s4 =	sld [smem:$0x3FA9]  }
0x2a: {  	p0 =	seq.s32 s5, $0x0;
	s5 =	sld [smem:$0x3FAA]  }
0x2b: {  	s6 =	sld [smem:$0x3FAB]  }
0x2c: {  	s7 =	sld [smem:$0x3FAC]  }
0x2d: {  	s3 =	simm.s32 $0x108;
	s8 =	sld [smem:$0x3FAD]  }
0x2e: {  	s3 =	simm.s32 @!p0 $0x1082;
	s9 =	sld [smem:$0x3FAE]  }
0x2f: {  	lr =	sadd.s32 s0, s3;
	s0 =	sld [smem:$0x3FA5]  }
0x30: {  	s3 =	sld [smem:$0x3FA8]  }
0x31: {  	[smem:$0x3FB1] =	sst s10  }
0x32: {  	s10 =	sld [smem:$0x3FAF];
	_ =	sdelay $0x3  }
0x33: {  	p0 =	seq.s32 s10, $0x1;
	s10 =	sld [smem:$0x3FB1];
	_ =	sdelay $0x3  }
0x34: {  	[smem:$0x3FB1] =	sst s10  }
0x35: {  	s10 =	sld [smem:$0x3FB0];
	_ =	sdelay $0x3  }
0x36: {  	p1 =	seq.s32 s10, $0x1;
	s10 =	sld [smem:$0x3FB1];
	_ =	sdelay $0x3  }
0x37: {  	[smem:$0x3FB1] =	sst s10  }
0x38: {  	s10 =	sld [smem:$0x3FB2]  }
0x39: {  	_ = 	snop;
	(pc) =	sbr.ind lr, $3  }
0x3a: {  	_ = 	snop  }
0x3b: {  	_ = 	snop  }
0x3c: {  	p2 =	seq.s32 s10, $0x1;
	s10 =	sld [smem:$0x3FB1]  }
0x3d: {  	_ =	shalt  }
0x3e: {  	_ =	shalt  }
0x3f: {  	_ =	shalt  }
0x40: {  	_ =	shalt  }
0x41: {  	_ =	shalt  }
0x42: {  	_ =	shalt  }
0x43: {  	_ =	shalt  }
0x44: {  	_ =	shalt  }
0x45: {  	_ =	shalt  }
0x46: {  	_ =	shalt  }
0x47: {  	_ =	shalt  }
0x48: {  	_ =	shalt  }
0x49: {  	_ =	shalt  }
0x4a: {  	_ =	shalt  }
0x4b: {  	_ =	shalt  }
0x4c: {  	_ =	shalt  }
0x4d: {  	_ =	shalt  }
0x4e: {  	_ =	shalt  }
0x4f: {  	_ =	shalt  }
0x50: {  	_ =	shalt  }
0x51: {  	_ =	shalt  }
0x52: {  	_ =	shalt  }
0x53: {  	_ =	shalt  }
0x54: {  	_ =	shalt  }
0x55: {  	_ =	shalt  }
0x56: {  	_ =	shalt  }
0x57: {  	_ =	shalt  }
0x58: {  	_ =	shalt  }
0x59: {  	_ =	shalt  }
0x5a: {  	_ =	shalt  }
0x5b: {  	_ =	shalt  }
0x5c: {  	_ =	shalt  }
0x5d: {  	_ =	shalt  }
0x5e: {  	_ =	shalt  }
0x5f: {  	_ =	shalt  }
0x60: {  	_ =	shalt  }
0x61: {  	_ =	shalt  }
0x62: {  	_ =	shalt  }
0x63: {  	_ =	shalt  }
0x64: {  	_ =	shalt  }
0x65: {  	_ =	shalt  }
0x66: {  	_ =	shalt  }
0x67: {  	_ =	shalt  }
0x68: {  	_ =	shalt  }
0x69: {  	_ =	shalt  }
0x6a: {  	_ =	shalt  }
0x6b: {  	_ =	shalt  }
0x6c: {  	_ =	shalt  }
0x6d: {  	_ =	shalt  }
0x6e: {  	_ =	shalt  }
0x6f: {  	_ =	shalt  }
0x70: {  	_ =	shalt  }
0x71: {  	_ =	shalt  }
0x72: {  	_ =	shalt  }
0x73: {  	_ =	shalt  }
0x74: {  	_ =	shalt  }
0x75: {  	_ =	shalt  }
0x76: {  	_ =	shalt  }
0x77: {  	_ =	shalt  }
0x78: {  	_ =	shalt  }
0x79: {  	_ =	shalt  }
0x7a: {  	_ =	shalt  }
0x7b: {  	_ =	shalt  }
0x7c: {  	_ =	shalt  }
0x7d: {  	_ =	shalt  }
0x7e: {  	_ =	shalt  }
0x7f: {  	_ =	shalt  }
0x80: {  	_ =	shalt  }
0x81: {  	_ =	shalt  }
0x82: {  	_ =	shalt  }
0x83: {  	_ =	shalt  }
0x84: {  	_ =	shalt  }
0x85: {  	_ =	shalt  }
0x86: {  	_ =	shalt  }
0x87: {  	_ =	shalt  }
.Lfunc_end0:
.L_simem_size_0:
called_computation.1_lowered:
.L_overlay_start_0:
0x88: {  	s2 =	sld [smem:$0x3FD9]  }
0x89: {  	s3 =	sld [smem:$0x3FFE];
	_ =	sdelay $0x1  }
0x8a: {  	s1 =	srdreg.scid  }
0x8b: {  	s0 =	sand.u32 $0x1, s1  }
0x8c: {  	s14 =	sshll.u32 s0, $0xA;
	s2 =	sadd.s32 s3, s2  }
0x8d: {  	s2 =	sadd.s32 s2, s14  }
0x8e: {  	[smem:$0x3FBD] =	sst s2  }
0x8f: {  	_ = 	snop  }
0x90: {  	s2 =	sld [smem:$0x3FD0];
	_ =	sdelay $0x2  }
0x91: {  	s15 =	simm.s32 $0xA;
	s4 =	simm.s32 $0x10  }
0x92: {  	[smem:s4], [sflag:s15] =	dma.local [hbm:s2], $0x1  }
0x93: {  	_ =	swait.eq [sflag:s15], $0x1  }
0x94: {  	[sflag:s15] =	ssyncset.done $0x0  }
0x95: {  	[sflag:s15] =	ssyncadd.s32 $0xFFFFFFFF  }
0x96: {  	s16 =	sld [smem:$0x11];
	(tm) =	ssettm $0x1  }
0x97: {  	s17 =	sld [smem:$0x3FFB];
	_ =	sdelay $0x3  }
0x98: {  	_ =	strace s17  }
0x99: {  	s3 =	sld [smem:$0x3FFC];
	_ =	sdelay $0x3  }
0x9a: {  	_ =	strace s3  }
0x9b: {  	s3 =	sld [smem:$0x3FFD];
	_ =	sdelay $0x3  }
0x9c: {  	_ =	strace s3  }
0x9d: {  	_ =	strace $0x8FFFFFFF  }
0x9e: {  	s18 =	sld [smem:$0x3FDB];
	_ =	sdelay $0x1  }
0x9f: {  	s19 =	simm.s32 $_scs_section_size  }
0xa0: {  	s5 =	simm.s32 $_size__tile_overlayer_lowered;
	s6 =	simm.s32 $_tile_overlayer_lowered  }
0xa1: {  	s22 =	simm.s32 $0x1BFF;
	s21 =	sshll.u32 s6, $0x1;
	s3 =	sadd.s32 s19, s18  }
0xa2: {  	s7 =	simm.s32 $0x0;
	s20 =	sshll.u32 s5, $0x1;
	s5 =	sadd.s32 s21, s3  }
0xa3: {  	[timem:s7], [sflag:s22] =	dma.local [hbm:s5], s20  }
0xa4: {  	_ =	swait.ge [sflag:s22], s20  }
0xa5: {  	s4 =	ssub.s32 $0x0, s20;
	[sflag:s22] =	ssyncset.done $0x0  }
0xa6: {  	[sflag:s22] =	ssyncadd.s32 s4;
	_ =	sdelay $0x1  }
0xa7: {  	s23 =	simm.s32 $0x1B8B  }
0xa8: {  	_ =	swait.ge [sflag:s23], $0x1  }
0xa9: {  	[sflag:s23] =	ssyncset.done $0x0  }
0xaa: {  	s25 =	simm.s32 $0x1B8E;
	s24 =	sld [smem:$0x3FFE];
	[sflag:s23] =	ssyncadd.s32 $0xFFFFFFFF  }
0xab: {  	s26 =	simm.s32 $execute0_lowered;
	[smem:$0x3FD2] =	sst s25  }
0xac: {  	s5 =	sshll.u32 s26, $0x1;
	_ =	strace $0x80000049;
	[dreg:$0x1] =	wrdreg $0xFFFFFFFF  }
0xad: {  	s28 =	simm.s32 $_size_execute0_lowered;
	s3 =	sadd.s32 s3, s5;
	[dreg:$0x0] =	wrdreg $0x0  }
0xae: {  	s5 =	sshll.u32 s28, $0x1;
	[dreg:$0x2] =	wrdreg s3  }
0xaf: {  	[dreg:$0x3] =	wrdreg s5  }
0xb0: {  	[dreg:$0x4] =	wrdreg $0xC0  }
0xb1: {  	_ =	task [dreg:s7], $0x5FFFF  }
0xb2: {  	[dreg:$0x1] =	wrdreg $0xFFFFFFFF  }
0xb3: {  	[dreg:$0x0] =	wrdreg $0x60  }
0xb4: {  	[dreg:$0x2] =	wrdreg s24  }
0xb5: {  	[dreg:$0x3] =	wrdreg s16  }
0xb6: {  	[dreg:$0x4] =	wrdreg $0x0  }
0xb7: {  	[dreg:$0x5] =	wrdreg $0x9  }
0xb8: {  	_ =	task.clear_ibuf [dreg:s7], $0x6FFFF;
	_ =	strace $0x90000049  }
0xb9: {  	s29 =	simm.s32 $0x9;
	_ =	strace $0x8000004B  }
0xba: {  	_ =	swait.ge [sflag:s29], $0x1  }
0xbb: {  	[sflag:s29] =	ssyncadd.s32 $0xFFFFFFFF  }
0xbc: {  	_ =	strace $0x9000004B  }
0xbd: {  	_ =	sfence  }
0xbe: {  	s30 =	sld [smem:$0x0];
	_ =	sdelay $0x2  }
0xbf: {  	s31 =	sshll.u32 s1, $0xD;
	s1 =	sshrl.u32 s1, $0x2  }
0xc0: {  	s3 =	sand.u32 $0x4000, s31;
	s1 =	sadd.s32 s1, s30  }
0xc1: {  	s0 =	sor.u32 s3, s0;
	s1 =	sshll.u32 s1, $0x11  }
0xc2: {  	s0 =	sor.u32 s1, s0  }
0xc3: {  	s0 =	sadd.s32 $0x8F2B, s0  }
0xc4: {  	[sflag:s0] =	ssyncadd.remote.s32 $0x1  }
0xc5: {  	_ =	sfence.sel $0xFFFF  }
0xc6: {  	[dreg:$0x0] =	wrdreg $0xFFFFFFFF;
	(pc) =	sbr.abs _section_cstart, $3  }
0xc7: {  	[dreg:$0x1] =	wrdreg $0xFFFFFFFF  }
0xc8: {  	_ =	task.clear_ibuf [dreg:s7], $0x2FFFF;
	_ =	strace $0x9FFFFFFF  }
0xc9: {  	(tm) =	ssettm $0x7FFFFFFF  }
tec
execute0_lowered:
.L_overlay_start_1:
0x0: {  	(tag) =	ssettag $0x1  }
0x1: {  	s8 =	rddreg [dreg:$0x0]  }
0x2: {  	s2 =	rddreg [dreg:$0x1];
	s0 =	srdreg.scid  }
0x3: {  	s3 =	rddreg [dreg:$0x2];
	s1 =	stileid.u32;
	s4 =	simm.s32 $0x0  }
0x4: {  	s17 =	simm.s32 $0x7D;
	s18 =	simm.s32 $0x16800;
	s19 =	simm.s32 $0x14080  }
0x5: {  	s20 =	simm.s32 $0x1A800;
	s21 =	simm.s32 $0x1;
	s22 =	simm.s32 $0x2  }
0x6: {  	s23 =	simm.s32 $0x3;
	s24 =	simm.s32 $0x4;
	s6 =	smul.u32 $0x1400, s1  }
0x7: {  	s25 =	simm.s32 $0x16700;
	s26 =	simm.s32 $0x16780;
	s10 =	smul.u32 $0x50000, s1  }
0x8: {  	s28 =	simm.s32 $0x0;
	s7 =	sand.u32 $0x1, s0;
	s14 =	smul.u32 $0x14000, s1  }
0x9: {  	[smem:$0x7FF] =	sst s4;
	s15 =	sshll.u32 s1, $0x6;
	s5 =	smul.u32 $0x14000, s7  }
0xa: {  	_ =	strace $0x8000004A;
	s11 =	ssub.s32 $0x2, s7;
	s12 =	smul.u32 $0x500000, s7  }
0xb: {  	s7 =	sadd.s32 $0x7F200, s8;
	s15 =	sor.u32 $0x1C05, s15;
	s13 =	sshrl.u32 s11, $0x1  }
0xc: {  	s10 =	sshrl.u32 s10, $0x2;
	s5 =	sadd.s32 s6, s5;
	s6 =	sadd.s32 $0x171A00, s8  }
0xd: {  	s11 =	ssub.s32 s11, s13;
	s16 =	sadd.s32 s10, s3;
	s10 =	sadd.s32 s12, s14  }
0xe: {  	s12 =	simm.s32 $0x15400;
	s13 =	simm.s32 $0x5;
	s9 =	sshrl.u32 s5, $0x3  }
0xf: {  	s14 =	simm.s32 $0x14000;
	s11 =	smax.u32 s11, $0x1;
	s9 =	sadd.s32 s9, s8  }
0x10: {  	s16 =	sshrl.u32 s16, $0x3;
	s8 =	sadd.s32 $0x2B1A00, s8;
	s9 =	sadd.s32 $0x2200, s9  }
.LBB2_1:
0x11: {  	[tilespmem:s12], [sflag:$0x5] =	stream.linear.gather [hbm4b:s9+s4], $0x1400, $0x38;
	[tilespmem:$0x1E800] =	vst v63  }
0x12: {  	_ =	swait.ge [sflag:s13], $0x1400  }
0x13: {  	[sflag:s13] =	ssyncset.done $0x0  }
0x14: {  	s29 =	simm.s32 $0x0;
	[sflag:s13] =	ssyncadd.s32 $0xFFFFEC00  }
.LBB2_2:
0x15: {  	s30 =	smul.u32 $0x28000, s29;
	_ =	sdelay $0x1  }
0x16: {  	s30 =	sadd.s32 s30, s5  }
0x17: {  	s30 =	sshrl.u32 s30, $0x3  }
0x18: {  	s31 =	simm.s32 $0x0;
	s30 =	sadd.s32 s2, s30  }
0x19: {  	[tilespmem:s14], [sflag:$0x5] =	stream.linear.gather [hbm4b:s30+s31], $0x1400, $0x38;
	[tilespmem:$0x1E800] =	vst v63  }
0x1a: {  	_ =	swait.ge [sflag:s13], $0x1400  }
0x1b: {  	[sflag:s13] =	ssyncset.done $0x0  }
0x1c: {  	[sflag:s13] =	ssyncadd.s32 $0xFFFFEC00  }
0x1d: {  	[spmem:s16], [sflag:s15] =	dma.local [hbm:s7], $0x2800  }
0x1e: {  	_ =	swait.ge [sflag:s13], $0x2800  }
0x1f: {  	[sflag:s13] =	ssyncset.done $0x0  }
0x20: {  	[sflag:s13] =	ssyncadd.s32 $0xFFFFD800  }
0x21: {  	[bflag:$0x0] =	sbarrier.arrive $0xFFFF  }
0x22: {  	[tilespmem:s18], [sflag:$0x1] =	stream.indirect.gather [hbm4b:s6+s17], $0x80, s14, s17, $0xb8;
	[tilespmem:$0x1E800] =	vst v63  }
0x23: {  	_ = 	snop  }
0x24: {  	[tilespmem:s20], [sflag:$0x2] =	stream.indirect.gather [hbm4b:s6+s17], $0x80, s19, s17, $0xb8;
	[tilespmem:$0x1E800] =	vst v63  }
0x25: {  	_ =	swait.ge [sflag:s21], $0x3E80  }
0x26: {  	[sflag:s21] =	ssyncset.done $0x0  }
0x27: {  	s30 =	simm.s32 $0x15400;
	[sflag:s21] =	ssyncadd.s32 $0xFFFFC180  }
0x28: {  	[spmem:s3] =	stream.indirect.scatter.add.f32 [tilespmem:s18], [sflag:$0x3], $0x80, s30, s17, $0xb8;
	[tilespmem:$0x1E800] =	vst v63  }
0x29: {  	_ =	swait.ge [sflag:s22], $0x3E80  }
0x2a: {  	[sflag:s22] =	ssyncset.done $0x0  }
0x2b: {  	s30 =	simm.s32 $0x15480;
	[sflag:s22] =	ssyncadd.s32 $0xFFFFC180  }
0x2c: {  	[spmem:s3] =	stream.indirect.scatter.add.f32 [tilespmem:s20], [sflag:$0x4], $0x80, s30, s17, $0xb8;
	[tilespmem:$0x1E800] =	vst v63  }
0x2d: {  	_ =	swait.ge [sflag:s23], $0x3E80  }
0x2e: {  	[sflag:s23] =	ssyncset.done $0x0  }
0x2f: {  	s30 =	simm.s32 $0x14100;
	[sflag:s23] =	ssyncadd.s32 $0xFFFFC180  }
0x30: {  	[tilespmem:s18], [sflag:$0x1] =	stream.indirect.gather [hbm4b:s6+s17], $0x80, s30, s17, $0xb8;
	[tilespmem:$0x1E800] =	vst v63  }
0x31: {  	_ =	swait.ge [sflag:s24], $0x3E80  }
0x32: {  	[sflag:s24] =	ssyncset.done $0x0  }
0x33: {  	s31 =	simm.s32 $0x14180;
	s30 =	simm.s32 $0x400;
	[sflag:s24] =	ssyncadd.s32 $0xFFFFC180  }
.LBB2_3:
0x34: {  	[tilespmem:s20], [sflag:$0x2] =	stream.indirect.gather [hbm4b:s6+s17], $0x80, s31, s17, $0xb8;
	[tilespmem:$0x1E800] =	vst v63  }
0x35: {  	s31 =	smov.u32 s30  }
0x36: {  	p0 =	sne.s32 s30, $0x4800;
	s30 =	sadd.s32 $0x400, s30;
	_ =	swait.ge [sflag:s21], $0x3E80  }
0x37: {  	s31 =	sshra.s32 s31, $0x2;
	[sflag:s21] =	ssyncset.done $0x0  }
0x38: {  	s0 =	sadd.s32 $0x15400, s31;
	[sflag:s21] =	ssyncadd.s32 $0xFFFFC180  }
0x39: {  	[spmem:s3] =	stream.indirect.scatter.add.f32 [tilespmem:s18], [sflag:$0x3], $0x80, s0, s17, $0xb8;
	[tilespmem:$0x1E800] =	vst v63  }
0x3a: {  	_ =	swait.ge [sflag:s22], $0x3E80  }
0x3b: {  	[sflag:s22] =	ssyncset.done $0x0  }
0x3c: {  	s0 =	sadd.s32 $0x15480, s31;
	[sflag:s22] =	ssyncadd.s32 $0xFFFFC180  }
0x3d: {  	[spmem:s3] =	stream.indirect.scatter.add.f32 [tilespmem:s20], [sflag:$0x4], $0x80, s0, s17, $0xb8;
	[tilespmem:$0x1E800] =	vst v63  }
0x3e: {  	_ =	swait.ge [sflag:s23], $0x3E80  }
0x3f: {  	[sflag:s23] =	ssyncset.done $0x0  }
.Ltmp0:
0x40: {  	s0 =	sadd.s32 $0x14100, s31;
	[sflag:s23] =	ssyncadd.s32 $0xFFFFC180;
	(pc) =	sbr.rel @p0 .LBB2_3-.Ltmp0, $4  }
0x41: {  	[tilespmem:s18], [sflag:$0x1] =	stream.indirect.gather [hbm4b:s6+s17], $0x80, s0, s17, $0xb8;
	[tilespmem:$0x1E800] =	vst v63  }
0x42: {  	_ =	swait.ge [sflag:s24], $0x3E80  }
0x43: {  	[sflag:s24] =	ssyncset.done $0x0  }
0x44: {  	s31 =	sadd.s32 $0x14180, s31;
	[sflag:s24] =	ssyncadd.s32 $0xFFFFC180  }
0x45: {  	[tilespmem:s20], [sflag:$0x2] =	stream.indirect.gather [hbm4b:s6+s17], $0x80, s31, s17, $0xb8;
	[tilespmem:$0x1E800] =	vst v63  }
0x46: {  	_ =	swait.ge [sflag:s21], $0x3E80  }
0x47: {  	[sflag:s21] =	ssyncset.done $0x0  }
0x48: {  	[sflag:s21] =	ssyncadd.s32 $0xFFFFC180  }
0x49: {  	[spmem:s3] =	stream.indirect.scatter.add.f32 [tilespmem:s18], [sflag:$0x3], $0x80, s25, s17, $0xb8;
	[tilespmem:$0x1E800] =	vst v63  }
0x4a: {  	_ =	swait.ge [sflag:s22], $0x3E80  }
0x4b: {  	[sflag:s22] =	ssyncset.done $0x0  }
0x4c: {  	[sflag:s22] =	ssyncadd.s32 $0xFFFFC180  }
0x4d: {  	[spmem:s3] =	stream.indirect.scatter.add.f32 [tilespmem:s20], [sflag:$0x4], $0x80, s26, s17, $0xb8;
	[tilespmem:$0x1E800] =	vst v63  }
0x4e: {  	_ =	swait.ge [sflag:s23], $0x3E80  }
0x4f: {  	[sflag:s23] =	ssyncset.done $0x0  }
0x50: {  	s0 =	smul.u32 $0x140000, s29;
	[sflag:s23] =	ssyncadd.s32 $0xFFFFC180  }
0x51: {  	_ =	swait.ge [sflag:s24], $0x3E80  }
0x52: {  	s0 =	sadd.s32 s0, s10;
	[sflag:s24] =	ssyncset.done $0x0  }
0x53: {  	s29 =	sadd.s32 $0x1, s29;
	s0 =	sshrl.u32 s0, $0x3;
	[sflag:s24] =	ssyncadd.s32 $0xFFFFC180  }
0x54: {  	p0 =	sne.s32 s29, $0x4;
	s0 =	sadd.s32 s8, s0;
	[bflag:$0x0] =	sbarrier.arrive $0xFFFF  }
0x55: {  	[hbm:s0], [sflag:s15] =	dma.local [spmem:s16], $0x2800  }
.Ltmp1:
0x56: {  	_ =	swait.ge [sflag:s13], $0x2800;
	(pc) =	sbr.rel @p0 .LBB2_2-.Ltmp1, $3  }
0x57: {  	[sflag:s13] =	ssyncset.done $0x0  }
0x58: {  	[sflag:s13] =	ssyncadd.s32 $0xFFFFD800  }
0x59: {  	[bflag:$0x0] =	sbarrier.arrive $0xFFFF;
	_ =	sdelay $0x1  }
0x5a: {  	s28 =	sadd.s32 $0x1, s28  }
0x5b: {  	p0 =	sne.s32 s28, s11  }
.Ltmp2:
0x5c: {  	_ = 	snop;
	(pc) =	sbr.rel @p0 .LBB2_1-.Ltmp2, $1  }
0x5d: {  	_ =	sdelay $0x3  }
0x5e: {  	_ =	sfence.sel $0x180000  }
0x5f: {  	[bflag:$0x0] =	sbarrier.arrive $0xFFFF  }
0x60: {  	_ =	strace $0x9000004A  }
0x61: {  	[bflag:$0x2] =	sbarrier.arrive $0xFFFF  }
0x62: {  	p0 =	sne.s32 s1, $0x0;
	s0 =	rddreg [dreg:$0x3]  }
0x63: {  	s0 =	sadd.s32 @!p0 $0x100000, s0  }
0x64: {  	[sflag:s0] =	ssyncadd.tile.s32 @!p0 $0x1;
	_ =	shalt  }
.Lfunc_end2:
_tile_overlayer_lowered:
.L_overlay_start_2:
0x65: {  	(tag) =	ssettag $0x2  }
0x66: {  	s0 =	rddreg [dreg:$0x0];
	s2 =	stileid.u32  }
0x67: {  	s1 =	rddreg [dreg:$0x1];
	p0 =	sne.s32 s2, $0x0  }
0x68: {  	s3 =	rddreg [dreg:$0x2];
	[bflag:$0x3] =	sbarrier.arrive $0xFFFF;
	s2 =	simm.s32 @!p0 $0x1C05  }
0x69: {  	[timem:s3], [sflag:s2] =	dma.local @!p0 [hbm:s0], s1  }
0x6a: {  	s0 =	simm.s32 @!p0 $0x5  }
0x6b: {  	_ =	swait.ge @!p0 [sflag:s0], s1  }
0x6c: {  	s1 =	ssub.s32 @!p0 $0x0, s1;
	[sflag:s0] =	ssyncset.done @!p0 $0x0  }
0x6d: {  	[sflag:s0] =	ssyncadd.s32 @!p0 s1  }
0x6e: {  	[bflag:$0x3] =	sbarrier.arrive $0xFFFF  }
0x6f: {  	_ =	shalt  }

// kernel: kernel.15.cloned.1.call-start
scs
__scs_entry_jumppad:
0x0: {  	(pc) =	sbr.rel $0x88, $3  }
0x1: {  	(tag) =	ssettag $0x0;
	lr =	simm.s32 $0x1  }
0x2: {  	[smem:$0x3F96] =	sst lr;
	_ =	strace $0xD0000000  }
0x3: {  	_ = 	snop  }
0x4: {  	_ = 	snop  }
0x5: {  	_ = 	snop  }
0x6: {  	_ = 	snop  }
0x7: {  	_ = 	snop  }
__scs_overlays_trampoline_lowered:
0x8: {  	[smem:$0x3FA5] =	sst s0  }
0x9: {  	[smem:$0x3FA6] =	sst s1  }
0xa: {  	[smem:$0x3FA7] =	sst s2  }
0xb: {  	[smem:$0x3FA8] =	sst s3  }
0xc: {  	[smem:$0x3FA9] =	sst s4  }
0xd: {  	[smem:$0x3FAA] =	sst s5  }
0xe: {  	[smem:$0x3FAB] =	sst s6  }
0xf: {  	[smem:$0x3FAC] =	sst s7  }
0x10: {  	[smem:$0x3FAD] =	sst s8  }
0x11: {  	[smem:$0x3FAE] =	sst s9;
	s0 =	simm.s32 @!p0 $0x0  }
0x12: {  	s1 =	sld [smem:$0x3F94];
	s0 =	simm.s32 @p0 $0x1  }
0x13: {  	[smem:$0x3FAF] =	sst s0;
	s0 =	simm.s32 @!p1 $0x0  }
0x14: {  	s2 =	sld [smem:$0x3F93];
	s0 =	simm.s32 @p1 $0x1  }
0x15: {  	[smem:$0x3FB0] =	sst s0;
	s0 =	simm.s32 @!p2 $0x0  }
0x16: {  	s3 =	sld [smem:$0x3FDB];
	s0 =	simm.s32 @p2 $0x1  }
0x17: {  	s4 =	simm.s32 $0x1BF5;
	[smem:$0x3FB2] =	sst s0  }
0x18: {  	s0 =	sld [smem:$0x3F95];
	_ =	swait.ge [sflag:s4], $0x0  }
0x19: {  	s7 =	sld [smem:$0x3F96]  }
0x1a: {  	s8 =	sadd.s32 $0xFFFFE003, lr  }
0x1b: {  	s9 =	sadd.s32 $0xFFFFFEF7, lr;
	s5 =	simm.s32 $0xFFFFFFFF;
	p2 =	slt.u32 s8, $0xFFFFF086  }
0x1c: {  	p1 =	slt.u32 s9, $0xF7A;
	s5 =	simm.s32 @!p2 $0x0  }
0x1d: {  	s5 =	simm.s32 @p1 $0x1;
	p0 =	seq.s32 s7, s2  }
0x1e: {  	s7 =	smul.u32 @!p0 $0xF7A, s2;
	p2 =	seq.s32 @!p0 s5, $0x0  }
0x1f: {  	s9 =	smul.u32 $0xF7A, s1;
	s8 =	simm.s32 @!p0 $0x1BF5;
	p2 =	por !p2, p0  }
0x20: {  	[sflag:s8] =	ssyncset.s32 @!p0 $0xFFFFF086;
	s6 =	sadd.s32 @!p0 s3, s7;
	s7 =	simm.s32 @!p0 $0x108  }
0x21: {  	s3 =	sadd.s32 s3, s9;
	s6 =	sadd.s32 @!p0 $0x88, s6;
	s7 =	simm.s32 @p2 $0x1082  }
0x22: {  	[simem:s7], [sflag:s8] =	dma.local @!p0 [hbm:s6], $0xF7A  }
0x23: {  	s9 =	sor.u32 $0xD0000000, s2;
	s6 =	simm.s32 $0x108;
	_ =	swait.ge @!p0 [sflag:s8], $0x0  }
0x24: {  	s3 =	sadd.s32 $0x88, s3;
	s6 =	simm.s32 @!p1 $0x1082;
	[sflag:s4] =	ssyncset.s32 $0xFFFFF086  }
0x25: {  	[simem:s6], [sflag:s4] =	dma.local [hbm:s3], $0xF7A  }
0x26: {  	[smem:$0x3F96] =	sst s1;
	(tag) =	ssettag s2;
	_ =	strace s9  }
0x27: {  	s1 =	sld [smem:$0x3FA6]  }
0x28: {  	s2 =	sld [smem:$0x3FA7]  }
0x29: {  	s4 =	sld [smem:$0x3FA9]  }
0x2a: {  	p0 =	seq.s32 s5, $0x0;
	s5 =	sld [smem:$0x3FAA]  }
0x2b: {  	s6 =	sld [smem:$0x3FAB]  }
0x2c: {  	s7 =	sld [smem:$0x3FAC]  }
0x2d: {  	s3 =	simm.s32 $0x108;
	s8 =	sld [smem:$0x3FAD]  }
0x2e: {  	s3 =	simm.s32 @!p0 $0x1082;
	s9 =	sld [smem:$0x3FAE]  }
0x2f: {  	lr =	sadd.s32 s0, s3;
	s0 =	sld [smem:$0x3FA5]  }
0x30: {  	s3 =	sld [smem:$0x3FA8]  }
0x31: {  	[smem:$0x3FB1] =	sst s10  }
0x32: {  	s10 =	sld [smem:$0x3FAF];
	_ =	sdelay $0x3  }
0x33: {  	p0 =	seq.s32 s10, $0x1;
	s10 =	sld [smem:$0x3FB1];
	_ =	sdelay $0x3  }
0x34: {  	[smem:$0x3FB1] =	sst s10  }
0x35: {  	s10 =	sld [smem:$0x3FB0];
	_ =	sdelay $0x3  }
0x36: {  	p1 =	seq.s32 s10, $0x1;
	s10 =	sld [smem:$0x3FB1];
	_ =	sdelay $0x3  }
0x37: {  	[smem:$0x3FB1] =	sst s10  }
0x38: {  	s10 =	sld [smem:$0x3FB2]  }
0x39: {  	_ = 	snop;
	(pc) =	sbr.ind lr, $3  }
0x3a: {  	_ = 	snop  }
0x3b: {  	_ = 	snop  }
0x3c: {  	p2 =	seq.s32 s10, $0x1;
	s10 =	sld [smem:$0x3FB1]  }
0x3d: {  	_ =	shalt  }
0x3e: {  	_ =	shalt  }
0x3f: {  	_ =	shalt  }
0x40: {  	_ =	shalt  }
0x41: {  	_ =	shalt  }
0x42: {  	_ =	shalt  }
0x43: {  	_ =	shalt  }
0x44: {  	_ =	shalt  }
0x45: {  	_ =	shalt  }
0x46: {  	_ =	shalt  }
0x47: {  	_ =	shalt  }
0x48: {  	_ =	shalt  }
0x49: {  	_ =	shalt  }
0x4a: {  	_ =	shalt  }
0x4b: {  	_ =	shalt  }
0x4c: {  	_ =	shalt  }
0x4d: {  	_ =	shalt  }
0x4e: {  	_ =	shalt  }
0x4f: {  	_ =	shalt  }
0x50: {  	_ =	shalt  }
0x51: {  	_ =	shalt  }
0x52: {  	_ =	shalt  }
0x53: {  	_ =	shalt  }
0x54: {  	_ =	shalt  }
0x55: {  	_ =	shalt  }
0x56: {  	_ =	shalt  }
0x57: {  	_ =	shalt  }
0x58: {  	_ =	shalt  }
0x59: {  	_ =	shalt  }
0x5a: {  	_ =	shalt  }
0x5b: {  	_ =	shalt  }
0x5c: {  	_ =	shalt  }
0x5d: {  	_ =	shalt  }
0x5e: {  	_ =	shalt  }
0x5f: {  	_ =	shalt  }
0x60: {  	_ =	shalt  }
0x61: {  	_ =	shalt  }
0x62: {  	_ =	shalt  }
0x63: {  	_ =	shalt  }
0x64: {  	_ =	shalt  }
0x65: {  	_ =	shalt  }
0x66: {  	_ =	shalt  }
0x67: {  	_ =	shalt  }
0x68: {  	_ =	shalt  }
0x69: {  	_ =	shalt  }
0x6a: {  	_ =	shalt  }
0x6b: {  	_ =	shalt  }
0x6c: {  	_ =	shalt  }
0x6d: {  	_ =	shalt  }
0x6e: {  	_ =	shalt  }
0x6f: {  	_ =	shalt  }
0x70: {  	_ =	shalt  }
0x71: {  	_ =	shalt  }
0x72: {  	_ =	shalt  }
0x73: {  	_ =	shalt  }
0x74: {  	_ =	shalt  }
0x75: {  	_ =	shalt  }
0x76: {  	_ =	shalt  }
0x77: {  	_ =	shalt  }
0x78: {  	_ =	shalt  }
0x79: {  	_ =	shalt  }
0x7a: {  	_ =	shalt  }
0x7b: {  	_ =	shalt  }
0x7c: {  	_ =	shalt  }
0x7d: {  	_ =	shalt  }
0x7e: {  	_ =	shalt  }
0x7f: {  	_ =	shalt  }
0x80: {  	_ =	shalt  }
0x81: {  	_ =	shalt  }
0x82: {  	_ =	shalt  }
0x83: {  	_ =	shalt  }
0x84: {  	_ =	shalt  }
0x85: {  	_ =	shalt  }
0x86: {  	_ =	shalt  }
0x87: {  	_ =	shalt  }
.Lfunc_end0:
.L_simem_size_0:
called_computation.2_lowered:
.L_overlay_start_0:
0x88: {  	s2 =	sld [smem:$0x3FD9]  }
0x89: {  	s3 =	sld [smem:$0x3FFE];
	_ =	sdelay $0x1  }
0x8a: {  	s1 =	srdreg.scid  }
0x8b: {  	s0 =	sand.u32 $0x1, s1  }
0x8c: {  	s14 =	sshll.u32 s0, $0xA;
	s2 =	sadd.s32 s3, s2  }
0x8d: {  	s2 =	sadd.s32 s2, s14  }
0x8e: {  	[smem:$0x3FBD] =	sst s2  }
0x8f: {  	_ = 	snop  }
0x90: {  	s2 =	sld [smem:$0x3FD0];
	_ =	sdelay $0x2  }
0x91: {  	s15 =	simm.s32 $0xA;
	s4 =	simm.s32 $0x10  }
0x92: {  	[smem:s4], [sflag:s15] =	dma.local [hbm:s2], $0x1  }
0x93: {  	_ =	swait.eq [sflag:s15], $0x1  }
0x94: {  	[sflag:s15] =	ssyncset.done $0x0  }
0x95: {  	[sflag:s15] =	ssyncadd.s32 $0xFFFFFFFF  }
0x96: {  	s16 =	sld [smem:$0x10];
	(tm) =	ssettm $0x1  }
0x97: {  	s17 =	sld [smem:$0x3FFB];
	_ =	sdelay $0x3  }
0x98: {  	_ =	strace s17  }
0x99: {  	s3 =	sld [smem:$0x3FFC];
	_ =	sdelay $0x3  }
0x9a: {  	_ =	strace s3  }
0x9b: {  	s3 =	sld [smem:$0x3FFD];
	_ =	sdelay $0x3  }
0x9c: {  	_ =	strace s3  }
0x9d: {  	_ =	strace $0x8FFFFFFF  }
0x9e: {  	s18 =	sld [smem:$0x3FDB];
	_ =	sdelay $0x1  }
0x9f: {  	s19 =	simm.s32 $_scs_section_size  }
0xa0: {  	s5 =	simm.s32 $_size__tile_overlayer_lowered;
	s6 =	simm.s32 $_tile_overlayer_lowered  }
0xa1: {  	s22 =	simm.s32 $0x1BFF;
	s21 =	sshll.u32 s6, $0x1;
	s3 =	sadd.s32 s19, s18  }
0xa2: {  	s7 =	simm.s32 $0x0;
	s20 =	sshll.u32 s5, $0x1;
	s5 =	sadd.s32 s21, s3  }
0xa3: {  	[timem:s7], [sflag:s22] =	dma.local [hbm:s5], s20  }
0xa4: {  	_ =	swait.ge [sflag:s22], s20  }
0xa5: {  	s4 =	ssub.s32 $0x0, s20;
	[sflag:s22] =	ssyncset.done $0x0  }
0xa6: {  	[sflag:s22] =	ssyncadd.s32 s4;
	_ =	sdelay $0x1  }
0xa7: {  	s23 =	simm.s32 $0x1B8B  }
0xa8: {  	_ =	swait.ge [sflag:s23], $0x1  }
0xa9: {  	[sflag:s23] =	ssyncset.done $0x0  }
0xaa: {  	s25 =	simm.s32 $0x1B8E;
	s24 =	sld [smem:$0x3FFE];
	[sflag:s23] =	ssyncadd.s32 $0xFFFFFFFF  }
0xab: {  	s26 =	simm.s32 $execute0_lowered;
	[smem:$0x3FD2] =	sst s25  }
0xac: {  	s5 =	sshll.u32 s26, $0x1;
	_ =	strace $0x8000004C;
	[dreg:$0x1] =	wrdreg $0xFFFFFFFF  }
0xad: {  	s28 =	simm.s32 $_size_execute0_lowered;
	s3 =	sadd.s32 s3, s5;
	[dreg:$0x0] =	wrdreg $0x0  }
0xae: {  	s5 =	sshll.u32 s28, $0x1;
	[dreg:$0x2] =	wrdreg s3  }
0xaf: {  	[dreg:$0x3] =	wrdreg s5  }
0xb0: {  	[dreg:$0x4] =	wrdreg $0xC0  }
0xb1: {  	_ =	task [dreg:s7], $0x5FFFF  }
0xb2: {  	[dreg:$0x1] =	wrdreg $0xFFFFFFFF  }
0xb3: {  	[dreg:$0x0] =	wrdreg $0x60  }
0xb4: {  	[dreg:$0x2] =	wrdreg s24  }
0xb5: {  	[dreg:$0x3] =	wrdreg s16  }
0xb6: {  	[dreg:$0x4] =	wrdreg $0x0  }
0xb7: {  	[dreg:$0x5] =	wrdreg $0x9  }
0xb8: {  	_ =	task.clear_ibuf [dreg:s7], $0x6FFFF;
	_ =	strace $0x9000004C  }
0xb9: {  	s29 =	simm.s32 $0x9;
	_ =	strace $0x8000004E  }
0xba: {  	_ =	swait.ge [sflag:s29], $0x1  }
0xbb: {  	[sflag:s29] =	ssyncadd.s32 $0xFFFFFFFF  }
0xbc: {  	_ =	strace $0x9000004E  }
0xbd: {  	_ =	sfence  }
0xbe: {  	s30 =	sld [smem:$0x0];
	_ =	sdelay $0x2  }
0xbf: {  	s31 =	sshll.u32 s1, $0xD;
	s1 =	sshrl.u32 s1, $0x2  }
0xc0: {  	s3 =	sand.u32 $0x4000, s31;
	s1 =	sadd.s32 s1, s30  }
0xc1: {  	s0 =	sor.u32 s3, s0;
	s1 =	sshll.u32 s1, $0x11  }
0xc2: {  	s0 =	sor.u32 s1, s0  }
0xc3: {  	s0 =	sadd.s32 $0x8F2B, s0  }
0xc4: {  	[sflag:s0] =	ssyncadd.remote.s32 $0x1  }
0xc5: {  	_ =	sfence.sel $0xFFFF  }
0xc6: {  	[dreg:$0x0] =	wrdreg $0xFFFFFFFF;
	(pc) =	sbr.abs _section_cstart, $3  }
0xc7: {  	[dreg:$0x1] =	wrdreg $0xFFFFFFFF  }
0xc8: {  	_ =	task.clear_ibuf [dreg:s7], $0x2FFFF;
	_ =	strace $0x9FFFFFFF  }
0xc9: {  	(tm) =	ssettm $0x7FFFFFFF  }
tec
execute0_lowered:
.L_overlay_start_1:
0x0: {  	(tag) =	ssettag $0x1  }
0x1: {  	s6 =	rddreg [dreg:$0x0]  }
0x2: {  	s7 =	rddreg [dreg:$0x1]  }
0x3: {  	s2 =	rddreg [dreg:$0x2]  }
0x4: {  	s0 =	srdreg.scid;
	s1 =	rddreg [dreg:$0x3];
	s3 =	simm.s32 $0x0  }
0x5: {  	s17 =	simm.s32 $0x7D;
	s18 =	simm.s32 $0x16800;
	s19 =	simm.s32 $0x14080  }
0x6: {  	s20 =	simm.s32 $0x1A800;
	s21 =	simm.s32 $0x1;
	s5 =	sand.u32 $0x1, s0  }
0x7: {  	s22 =	simm.s32 $0x2;
	s0 =	stileid.u32;
	s4 =	smul.u32 $0x14000, s5  }
0x8: {  	s23 =	simm.s32 $0x3;
	s24 =	simm.s32 $0x4;
	s8 =	smul.u32 $0x1400, s0  }
0x9: {  	s25 =	simm.s32 $0x16700;
	[smem:$0x7FF] =	sst s3;
	s26 =	smul.u32 $0x280000, s5  }
0xa: {  	s28 =	simm.s32 $0x0;
	s10 =	smul.u32 $0x14000, s0;
	_ =	strace $0x8000004D  }
0xb: {  	s29 =	ssub.s32 $0x2, s5;
	s12 =	smul.u32 $0x50000, s0;
	s15 =	sshll.u32 s0, $0x6  }
0xc: {  	s5 =	sadd.s32 $0x7F200, s6;
	s13 =	sshrl.u32 s29, $0x1;
	s15 =	sor.u32 $0x1C05, s15  }
0xd: {  	s4 =	sadd.s32 s8, s4;
	s8 =	sadd.s32 s26, s10;
	s30 =	ssub.s32 s29, s13  }
0xe: {  	s31 =	sshrl.u32 s12, $0x2;
	s12 =	simm.s32 $0x15400;
	s13 =	simm.s32 $0x5  }
0xf: {  	s26 =	simm.s32 $0x16780;
	s9 =	sshrl.u32 s4, $0x3;
	s4 =	sadd.s32 $0x171A00, s6  }
0x10: {  	s8 =	sshrl.u32 s8, $0x3;
	s16 =	sadd.s32 s31, s2;
	s11 =	sadd.s32 s9, s6  }
0x11: {  	s14 =	sadd.s32 s8, s6;
	s7 =	sadd.s32 s7, s9;
	s8 =	smax.u32 s30, $0x1  }
0x12: {  	s16 =	sshrl.u32 s16, $0x3;
	s6 =	sadd.s32 $0x2200, s11;
	s9 =	sadd.s32 $0x211A00, s14  }
0x13: {  	s10 =	sadd.s32 $0x5000, s7;
	s11 =	sadd.s32 $0x239A00, s14;
	s14 =	simm.s32 $0x14000  }
.LBB2_1:
0x14: {  	[tilespmem:s12], [sflag:$0x5] =	stream.linear.gather [hbm4b:s6+s3], $0x1400, $0x38;
	[tilespmem:$0x1E800] =	vst v63  }
0x15: {  	_ =	swait.ge [sflag:s13], $0x1400  }
0x16: {  	[sflag:s13] =	ssyncset.done $0x0  }
0x17: {  	[sflag:s13] =	ssyncadd.s32 $0xFFFFEC00  }
0x18: {  	[tilespmem:s14], [sflag:$0x5] =	stream.linear.gather [hbm4b:s7+s3], $0x1400, $0x38;
	[tilespmem:$0x1E800] =	vst v63  }
0x19: {  	_ =	swait.ge [sflag:s13], $0x1400  }
0x1a: {  	[sflag:s13] =	ssyncset.done $0x0  }
0x1b: {  	[sflag:s13] =	ssyncadd.s32 $0xFFFFEC00  }
0x1c: {  	[spmem:s16], [sflag:s15] =	dma.local [hbm:s5], $0x2800  }
0x1d: {  	_ =	swait.ge [sflag:s13], $0x2800  }
0x1e: {  	[sflag:s13] =	ssyncset.done $0x0  }
0x1f: {  	[sflag:s13] =	ssyncadd.s32 $0xFFFFD800  }
0x20: {  	[bflag:$0x0] =	sbarrier.arrive $0xFFFF  }
0x21: {  	[tilespmem:s18], [sflag:$0x1] =	stream.indirect.gather [hbm4b:s4+s17], $0x80, s14, s17, $0xb8;
	[tilespmem:$0x1E800] =	vst v63  }
0x22: {  	_ = 	snop  }
0x23: {  	[tilespmem:s20], [sflag:$0x2] =	stream.indirect.gather [hbm4b:s4+s17], $0x80, s19, s17, $0xb8;
	[tilespmem:$0x1E800] =	vst v63  }
0x24: {  	_ =	swait.ge [sflag:s21], $0x3E80  }
0x25: {  	[sflag:s21] =	ssyncset.done $0x0  }
0x26: {  	s29 =	simm.s32 $0x15400;
	[sflag:s21] =	ssyncadd.s32 $0xFFFFC180  }
0x27: {  	[spmem:s2] =	stream.indirect.scatter.add.f32 [tilespmem:s18], [sflag:$0x3], $0x80, s29, s17, $0xb8;
	[tilespmem:$0x1E800] =	vst v63  }
0x28: {  	_ =	swait.ge [sflag:s22], $0x3E80  }
0x29: {  	[sflag:s22] =	ssyncset.done $0x0  }
0x2a: {  	s29 =	simm.s32 $0x15480;
	[sflag:s22] =	ssyncadd.s32 $0xFFFFC180  }
0x2b: {  	[spmem:s2] =	stream.indirect.scatter.add.f32 [tilespmem:s20], [sflag:$0x4], $0x80, s29, s17, $0xb8;
	[tilespmem:$0x1E800] =	vst v63  }
0x2c: {  	_ =	swait.ge [sflag:s23], $0x3E80  }
0x2d: {  	[sflag:s23] =	ssyncset.done $0x0  }
0x2e: {  	s29 =	simm.s32 $0x14100;
	[sflag:s23] =	ssyncadd.s32 $0xFFFFC180  }
0x2f: {  	[tilespmem:s18], [sflag:$0x1] =	stream.indirect.gather [hbm4b:s4+s17], $0x80, s29, s17, $0xb8;
	[tilespmem:$0x1E800] =	vst v63  }
0x30: {  	_ =	swait.ge [sflag:s24], $0x3E80  }
0x31: {  	[sflag:s24] =	ssyncset.done $0x0  }
0x32: {  	s30 =	simm.s32 $0x14180;
	s29 =	simm.s32 $0x400;
	[sflag:s24] =	ssyncadd.s32 $0xFFFFC180  }
.LBB2_2:
0x33: {  	[tilespmem:s20], [sflag:$0x2] =	stream.indirect.gather [hbm4b:s4+s17], $0x80, s30, s17, $0xb8;
	[tilespmem:$0x1E800] =	vst v63  }
0x34: {  	s30 =	smov.u32 s29  }
0x35: {  	p0 =	sne.s32 s29, $0x4800;
	s29 =	sadd.s32 $0x400, s29;
	_ =	swait.ge [sflag:s21], $0x3E80  }
0x36: {  	s30 =	sshra.s32 s30, $0x2;
	[sflag:s21] =	ssyncset.done $0x0  }
0x37: {  	s31 =	sadd.s32 $0x15400, s30;
	[sflag:s21] =	ssyncadd.s32 $0xFFFFC180  }
0x38: {  	[spmem:s2] =	stream.indirect.scatter.add.f32 [tilespmem:s18], [sflag:$0x3], $0x80, s31, s17, $0xb8;
	[tilespmem:$0x1E800] =	vst v63  }
0x39: {  	_ =	swait.ge [sflag:s22], $0x3E80  }
0x3a: {  	[sflag:s22] =	ssyncset.done $0x0  }
0x3b: {  	s31 =	sadd.s32 $0x15480, s30;
	[sflag:s22] =	ssyncadd.s32 $0xFFFFC180  }
0x3c: {  	[spmem:s2] =	stream.indirect.scatter.add.f32 [tilespmem:s20], [sflag:$0x4], $0x80, s31, s17, $0xb8;
	[tilespmem:$0x1E800] =	vst v63  }
0x3d: {  	_ =	swait.ge [sflag:s23], $0x3E80  }
0x3e: {  	[sflag:s23] =	ssyncset.done $0x0  }
.Ltmp0:
0x3f: {  	s31 =	sadd.s32 $0x14100, s30;
	[sflag:s23] =	ssyncadd.s32 $0xFFFFC180;
	(pc) =	sbr.rel @p0 .LBB2_2-.Ltmp0, $4  }
0x40: {  	[tilespmem:s18], [sflag:$0x1] =	stream.indirect.gather [hbm4b:s4+s17], $0x80, s31, s17, $0xb8;
	[tilespmem:$0x1E800] =	vst v63  }
0x41: {  	_ =	swait.ge [sflag:s24], $0x3E80  }
0x42: {  	[sflag:s24] =	ssyncset.done $0x0  }
0x43: {  	s30 =	sadd.s32 $0x14180, s30;
	[sflag:s24] =	ssyncadd.s32 $0xFFFFC180  }
0x44: {  	[tilespmem:s20], [sflag:$0x2] =	stream.indirect.gather [hbm4b:s4+s17], $0x80, s30, s17, $0xb8;
	[tilespmem:$0x1E800] =	vst v63  }
0x45: {  	_ =	swait.ge [sflag:s21], $0x3E80  }
0x46: {  	[sflag:s21] =	ssyncset.done $0x0  }
0x47: {  	[sflag:s21] =	ssyncadd.s32 $0xFFFFC180  }
0x48: {  	[spmem:s2] =	stream.indirect.scatter.add.f32 [tilespmem:s18], [sflag:$0x3], $0x80, s25, s17, $0xb8;
	[tilespmem:$0x1E800] =	vst v63  }
0x49: {  	_ =	swait.ge [sflag:s22], $0x3E80  }
0x4a: {  	[sflag:s22] =	ssyncset.done $0x0  }
0x4b: {  	[sflag:s22] =	ssyncadd.s32 $0xFFFFC180  }
0x4c: {  	[spmem:s2] =	stream.indirect.scatter.add.f32 [tilespmem:s20], [sflag:$0x4], $0x80, s26, s17, $0xb8;
	[tilespmem:$0x1E800] =	vst v63  }
0x4d: {  	_ =	swait.ge [sflag:s23], $0x3E80  }
0x4e: {  	[sflag:s23] =	ssyncset.done $0x0  }
0x4f: {  	[sflag:s23] =	ssyncadd.s32 $0xFFFFC180  }
0x50: {  	_ =	swait.ge [sflag:s24], $0x3E80  }
0x51: {  	[sflag:s24] =	ssyncset.done $0x0  }
0x52: {  	[sflag:s24] =	ssyncadd.s32 $0xFFFFC180  }
0x53: {  	[bflag:$0x0] =	sbarrier.arrive $0xFFFF  }
0x54: {  	[hbm:s9], [sflag:s15] =	dma.local [spmem:s16], $0x2800  }
0x55: {  	_ =	swait.ge [sflag:s13], $0x2800  }
0x56: {  	[sflag:s13] =	ssyncset.done $0x0  }
0x57: {  	[sflag:s13] =	ssyncadd.s32 $0xFFFFD800  }
0x58: {  	s29 =	simm.s32 $0x0;
	[bflag:$0x0] =	sbarrier.arrive $0xFFFF  }
0x59: {  	[tilespmem:s14], [sflag:$0x5] =	stream.linear.gather [hbm4b:s10+s29], $0x1400, $0x38;
	[tilespmem:$0x1E800] =	vst v63  }
0x5a: {  	_ =	swait.ge [sflag:s13], $0x1400  }
0x5b: {  	[sflag:s13] =	ssyncset.done $0x0  }
0x5c: {  	[sflag:s13] =	ssyncadd.s32 $0xFFFFEC00  }
0x5d: {  	[spmem:s16], [sflag:s15] =	dma.local [hbm:s5], $0x2800  }
0x5e: {  	_ =	swait.ge [sflag:s13], $0x2800  }
0x5f: {  	[sflag:s13] =	ssyncset.done $0x0  }
0x60: {  	[sflag:s13] =	ssyncadd.s32 $0xFFFFD800  }
0x61: {  	[bflag:$0x0] =	sbarrier.arrive $0xFFFF  }
0x62: {  	[tilespmem:s18], [sflag:$0x1] =	stream.indirect.gather [hbm4b:s4+s17], $0x80, s14, s17, $0xb8;
	[tilespmem:$0x1E800] =	vst v63  }
0x63: {  	_ = 	snop  }
0x64: {  	[tilespmem:s20], [sflag:$0x2] =	stream.indirect.gather [hbm4b:s4+s17], $0x80, s19, s17, $0xb8;
	[tilespmem:$0x1E800] =	vst v63  }
0x65: {  	_ =	swait.ge [sflag:s21], $0x3E80  }
0x66: {  	[sflag:s21] =	ssyncset.done $0x0  }
0x67: {  	s29 =	simm.s32 $0x15400;
	[sflag:s21] =	ssyncadd.s32 $0xFFFFC180  }
0x68: {  	[spmem:s2] =	stream.indirect.scatter.add.f32 [tilespmem:s18], [sflag:$0x3], $0x80, s29, s17, $0xb8;
	[tilespmem:$0x1E800] =	vst v63  }
0x69: {  	_ =	swait.ge [sflag:s22], $0x3E80  }
0x6a: {  	[sflag:s22] =	ssyncset.done $0x0  }
0x6b: {  	s29 =	simm.s32 $0x15480;
	[sflag:s22] =	ssyncadd.s32 $0xFFFFC180  }
0x6c: {  	[spmem:s2] =	stream.indirect.scatter.add.f32 [tilespmem:s20], [sflag:$0x4], $0x80, s29, s17, $0xb8;
	[tilespmem:$0x1E800] =	vst v63  }
0x6d: {  	_ =	swait.ge [sflag:s23], $0x3E80  }
0x6e: {  	[sflag:s23] =	ssyncset.done $0x0  }
0x6f: {  	s29 =	simm.s32 $0x14100;
	[sflag:s23] =	ssyncadd.s32 $0xFFFFC180  }
0x70: {  	[tilespmem:s18], [sflag:$0x1] =	stream.indirect.gather [hbm4b:s4+s17], $0x80, s29, s17, $0xb8;
	[tilespmem:$0x1E800] =	vst v63  }
0x71: {  	_ =	swait.ge [sflag:s24], $0x3E80  }
0x72: {  	[sflag:s24] =	ssyncset.done $0x0  }
0x73: {  	s30 =	simm.s32 $0x14180;
	s29 =	simm.s32 $0x400;
	[sflag:s24] =	ssyncadd.s32 $0xFFFFC180  }
.LBB2_4:
0x74: {  	[tilespmem:s20], [sflag:$0x2] =	stream.indirect.gather [hbm4b:s4+s17], $0x80, s30, s17, $0xb8;
	[tilespmem:$0x1E800] =	vst v63  }
0x75: {  	s30 =	smov.u32 s29  }
0x76: {  	p0 =	sne.s32 s29, $0x4800;
	s29 =	sadd.s32 $0x400, s29;
	_ =	swait.ge [sflag:s21], $0x3E80  }
0x77: {  	s30 =	sshra.s32 s30, $0x2;
	[sflag:s21] =	ssyncset.done $0x0  }
0x78: {  	s31 =	sadd.s32 $0x15400, s30;
	[sflag:s21] =	ssyncadd.s32 $0xFFFFC180  }
0x79: {  	[spmem:s2] =	stream.indirect.scatter.add.f32 [tilespmem:s18], [sflag:$0x3], $0x80, s31, s17, $0xb8;
	[tilespmem:$0x1E800] =	vst v63  }
0x7a: {  	_ =	swait.ge [sflag:s22], $0x3E80  }
0x7b: {  	[sflag:s22] =	ssyncset.done $0x0  }
0x7c: {  	s31 =	sadd.s32 $0x15480, s30;
	[sflag:s22] =	ssyncadd.s32 $0xFFFFC180  }
0x7d: {  	[spmem:s2] =	stream.indirect.scatter.add.f32 [tilespmem:s20], [sflag:$0x4], $0x80, s31, s17, $0xb8;
	[tilespmem:$0x1E800] =	vst v63  }
0x7e: {  	_ =	swait.ge [sflag:s23], $0x3E80  }
0x7f: {  	[sflag:s23] =	ssyncset.done $0x0  }
.Ltmp1:
0x80: {  	s31 =	sadd.s32 $0x14100, s30;
	[sflag:s23] =	ssyncadd.s32 $0xFFFFC180;
	(pc) =	sbr.rel @p0 .LBB2_4-.Ltmp1, $4  }
0x81: {  	[tilespmem:s18], [sflag:$0x1] =	stream.indirect.gather [hbm4b:s4+s17], $0x80, s31, s17, $0xb8;
	[tilespmem:$0x1E800] =	vst v63  }
0x82: {  	_ =	swait.ge [sflag:s24], $0x3E80  }
0x83: {  	[sflag:s24] =	ssyncset.done $0x0  }
0x84: {  	s30 =	sadd.s32 $0x14180, s30;
	[sflag:s24] =	ssyncadd.s32 $0xFFFFC180  }
0x85: {  	[tilespmem:s20], [sflag:$0x2] =	stream.indirect.gather [hbm4b:s4+s17], $0x80, s30, s17, $0xb8;
	[tilespmem:$0x1E800] =	vst v63  }
0x86: {  	_ =	swait.ge [sflag:s21], $0x3E80  }
0x87: {  	[sflag:s21] =	ssyncset.done $0x0  }
0x88: {  	[sflag:s21] =	ssyncadd.s32 $0xFFFFC180  }
0x89: {  	[spmem:s2] =	stream.indirect.scatter.add.f32 [tilespmem:s18], [sflag:$0x3], $0x80, s25, s17, $0xb8;
	[tilespmem:$0x1E800] =	vst v63  }
0x8a: {  	_ =	swait.ge [sflag:s22], $0x3E80  }
0x8b: {  	[sflag:s22] =	ssyncset.done $0x0  }
0x8c: {  	[sflag:s22] =	ssyncadd.s32 $0xFFFFC180  }
0x8d: {  	[spmem:s2] =	stream.indirect.scatter.add.f32 [tilespmem:s20], [sflag:$0x4], $0x80, s26, s17, $0xb8;
	[tilespmem:$0x1E800] =	vst v63  }
0x8e: {  	_ =	swait.ge [sflag:s23], $0x3E80  }
0x8f: {  	[sflag:s23] =	ssyncset.done $0x0  }
0x90: {  	[sflag:s23] =	ssyncadd.s32 $0xFFFFC180  }
0x91: {  	_ =	swait.ge [sflag:s24], $0x3E80  }
0x92: {  	[sflag:s24] =	ssyncset.done $0x0  }
0x93: {  	s28 =	sadd.s32 $0x1, s28;
	[sflag:s24] =	ssyncadd.s32 $0xFFFFC180  }
0x94: {  	p0 =	sne.s32 s28, s8;
	[bflag:$0x0] =	sbarrier.arrive $0xFFFF  }
0x95: {  	[hbm:s11], [sflag:s15] =	dma.local [spmem:s16], $0x2800  }
.Ltmp2:
0x96: {  	_ =	swait.ge [sflag:s13], $0x2800;
	(pc) =	sbr.rel @p0 .LBB2_1-.Ltmp2, $3  }
0x97: {  	[sflag:s13] =	ssyncset.done $0x0  }
0x98: {  	[sflag:s13] =	ssyncadd.s32 $0xFFFFD800  }
0x99: {  	[bflag:$0x0] =	sbarrier.arrive $0xFFFF;
	_ =	sdelay $0x1  }
0x9a: {  	_ =	sfence.sel $0x180000  }
0x9b: {  	[bflag:$0x0] =	sbarrier.arrive $0xFFFF  }
0x9c: {  	p0 =	sne.s32 s0, $0x0;
	_ =	strace $0x9000004D  }
0x9d: {  	s0 =	sadd.s32 @!p0 $0x100000, s1;
	[bflag:$0x2] =	sbarrier.arrive $0xFFFF  }
0x9e: {  	[sflag:s0] =	ssyncadd.tile.s32 @!p0 $0x1;
	_ =	shalt  }
.Lfunc_end2:
_tile_overlayer_lowered:
.L_overlay_start_2:
0x9f: {  	(tag) =	ssettag $0x2  }
0xa0: {  	s0 =	rddreg [dreg:$0x0];
	s2 =	stileid.u32  }
0xa1: {  	s1 =	rddreg [dreg:$0x1];
	p0 =	sne.s32 s2, $0x0  }
0xa2: {  	s3 =	rddreg [dreg:$0x2];
	[bflag:$0x3] =	sbarrier.arrive $0xFFFF;
	s2 =	simm.s32 @!p0 $0x1C05  }
0xa3: {  	[timem:s3], [sflag:s2] =	dma.local @!p0 [hbm:s0], s1  }
0xa4: {  	s0 =	simm.s32 @!p0 $0x5  }
0xa5: {  	_ =	swait.ge @!p0 [sflag:s0], s1  }
0xa6: {  	s1 =	ssub.s32 @!p0 $0x0, s1;
	[sflag:s0] =	ssyncset.done @!p0 $0x0  }
0xa7: {  	[sflag:s0] =	ssyncadd.s32 @!p0 s1  }
0xa8: {  	[bflag:$0x3] =	sbarrier.arrive $0xFFFF  }
0xa9: {  	_ =	shalt  }

// kernel: kernel.9.cloned.1.call-start
scs
__scs_entry_jumppad:
0x0: {  	(pc) =	sbr.rel $0x88, $3  }
0x1: {  	(tag) =	ssettag $0x0;
	lr =	simm.s32 $0x1  }
0x2: {  	[smem:$0x3F96] =	sst lr;
	_ =	strace $0xD0000000  }
0x3: {  	_ = 	snop  }
0x4: {  	_ = 	snop  }
0x5: {  	_ = 	snop  }
0x6: {  	_ = 	snop  }
0x7: {  	_ = 	snop  }
__scs_overlays_trampoline_lowered:
0x8: {  	[smem:$0x3FA5] =	sst s0  }
0x9: {  	[smem:$0x3FA6] =	sst s1  }
0xa: {  	[smem:$0x3FA7] =	sst s2  }
0xb: {  	[smem:$0x3FA8] =	sst s3  }
0xc: {  	[smem:$0x3FA9] =	sst s4  }
0xd: {  	[smem:$0x3FAA] =	sst s5  }
0xe: {  	[smem:$0x3FAB] =	sst s6  }
0xf: {  	[smem:$0x3FAC] =	sst s7  }
0x10: {  	[smem:$0x3FAD] =	sst s8  }
0x11: {  	[smem:$0x3FAE] =	sst s9;
	s0 =	simm.s32 @!p0 $0x0  }
0x12: {  	s1 =	sld [smem:$0x3F94];
	s0 =	simm.s32 @p0 $0x1  }
0x13: {  	[smem:$0x3FAF] =	sst s0;
	s0 =	simm.s32 @!p1 $0x0  }
0x14: {  	s2 =	sld [smem:$0x3F93];
	s0 =	simm.s32 @p1 $0x1  }
0x15: {  	[smem:$0x3FB0] =	sst s0;
	s0 =	simm.s32 @!p2 $0x0  }
0x16: {  	s3 =	sld [smem:$0x3FDB];
	s0 =	simm.s32 @p2 $0x1  }
0x17: {  	s4 =	simm.s32 $0x1BF5;
	[smem:$0x3FB2] =	sst s0  }
0x18: {  	s0 =	sld [smem:$0x3F95];
	_ =	swait.ge [sflag:s4], $0x0  }
0x19: {  	s7 =	sld [smem:$0x3F96]  }
0x1a: {  	s8 =	sadd.s32 $0xFFFFE003, lr  }
0x1b: {  	s9 =	sadd.s32 $0xFFFFFEF7, lr;
	s5 =	simm.s32 $0xFFFFFFFF;
	p2 =	slt.u32 s8, $0xFFFFF086  }
0x1c: {  	p1 =	slt.u32 s9, $0xF7A;
	s5 =	simm.s32 @!p2 $0x0  }
0x1d: {  	s5 =	simm.s32 @p1 $0x1;
	p0 =	seq.s32 s7, s2  }
0x1e: {  	s7 =	smul.u32 @!p0 $0xF7A, s2;
	p2 =	seq.s32 @!p0 s5, $0x0  }
0x1f: {  	s9 =	smul.u32 $0xF7A, s1;
	s8 =	simm.s32 @!p0 $0x1BF5;
	p2 =	por !p2, p0  }
0x20: {  	[sflag:s8] =	ssyncset.s32 @!p0 $0xFFFFF086;
	s6 =	sadd.s32 @!p0 s3, s7;
	s7 =	simm.s32 @!p0 $0x108  }
0x21: {  	s3 =	sadd.s32 s3, s9;
	s6 =	sadd.s32 @!p0 $0x88, s6;
	s7 =	simm.s32 @p2 $0x1082  }
0x22: {  	[simem:s7], [sflag:s8] =	dma.local @!p0 [hbm:s6], $0xF7A  }
0x23: {  	s9 =	sor.u32 $0xD0000000, s2;
	s6 =	simm.s32 $0x108;
	_ =	swait.ge @!p0 [sflag:s8], $0x0  }
0x24: {  	s3 =	sadd.s32 $0x88, s3;
	s6 =	simm.s32 @!p1 $0x1082;
	[sflag:s4] =	ssyncset.s32 $0xFFFFF086  }
0x25: {  	[simem:s6], [sflag:s4] =	dma.local [hbm:s3], $0xF7A  }
0x26: {  	[smem:$0x3F96] =	sst s1;
	(tag) =	ssettag s2;
	_ =	strace s9  }
0x27: {  	s1 =	sld [smem:$0x3FA6]  }
0x28: {  	s2 =	sld [smem:$0x3FA7]  }
0x29: {  	s4 =	sld [smem:$0x3FA9]  }
0x2a: {  	p0 =	seq.s32 s5, $0x0;
	s5 =	sld [smem:$0x3FAA]  }
0x2b: {  	s6 =	sld [smem:$0x3FAB]  }
0x2c: {  	s7 =	sld [smem:$0x3FAC]  }
0x2d: {  	s3 =	simm.s32 $0x108;
	s8 =	sld [smem:$0x3FAD]  }
0x2e: {  	s3 =	simm.s32 @!p0 $0x1082;
	s9 =	sld [smem:$0x3FAE]  }
0x2f: {  	lr =	sadd.s32 s0, s3;
	s0 =	sld [smem:$0x3FA5]  }
0x30: {  	s3 =	sld [smem:$0x3FA8]  }
0x31: {  	[smem:$0x3FB1] =	sst s10  }
0x32: {  	s10 =	sld [smem:$0x3FAF];
	_ =	sdelay $0x3  }
0x33: {  	p0 =	seq.s32 s10, $0x1;
	s10 =	sld [smem:$0x3FB1];
	_ =	sdelay $0x3  }
0x34: {  	[smem:$0x3FB1] =	sst s10  }
0x35: {  	s10 =	sld [smem:$0x3FB0];
	_ =	sdelay $0x3  }
0x36: {  	p1 =	seq.s32 s10, $0x1;
	s10 =	sld [smem:$0x3FB1];
	_ =	sdelay $0x3  }
0x37: {  	[smem:$0x3FB1] =	sst s10  }
0x38: {  	s10 =	sld [smem:$0x3FB2]  }
0x39: {  	_ = 	snop;
	(pc) =	sbr.ind lr, $3  }
0x3a: {  	_ = 	snop  }
0x3b: {  	_ = 	snop  }
0x3c: {  	p2 =	seq.s32 s10, $0x1;
	s10 =	sld [smem:$0x3FB1]  }
0x3d: {  	_ =	shalt  }
0x3e: {  	_ =	shalt  }
0x3f: {  	_ =	shalt  }
0x40: {  	_ =	shalt  }
0x41: {  	_ =	shalt  }
0x42: {  	_ =	shalt  }
0x43: {  	_ =	shalt  }
0x44: {  	_ =	shalt  }
0x45: {  	_ =	shalt  }
0x46: {  	_ =	shalt  }
0x47: {  	_ =	shalt  }
0x48: {  	_ =	shalt  }
0x49: {  	_ =	shalt  }
0x4a: {  	_ =	shalt  }
0x4b: {  	_ =	shalt  }
0x4c: {  	_ =	shalt  }
0x4d: {  	_ =	shalt  }
0x4e: {  	_ =	shalt  }
0x4f: {  	_ =	shalt  }
0x50: {  	_ =	shalt  }
0x51: {  	_ =	shalt  }
0x52: {  	_ =	shalt  }
0x53: {  	_ =	shalt  }
0x54: {  	_ =	shalt  }
0x55: {  	_ =	shalt  }
0x56: {  	_ =	shalt  }
0x57: {  	_ =	shalt  }
0x58: {  	_ =	shalt  }
0x59: {  	_ =	shalt  }
0x5a: {  	_ =	shalt  }
0x5b: {  	_ =	shalt  }
0x5c: {  	_ =	shalt  }
0x5d: {  	_ =	shalt  }
0x5e: {  	_ =	shalt  }
0x5f: {  	_ =	shalt  }
0x60: {  	_ =	shalt  }
0x61: {  	_ =	shalt  }
0x62: {  	_ =	shalt  }
0x63: {  	_ =	shalt  }
0x64: {  	_ =	shalt  }
0x65: {  	_ =	shalt  }
0x66: {  	_ =	shalt  }
0x67: {  	_ =	shalt  }
0x68: {  	_ =	shalt  }
0x69: {  	_ =	shalt  }
0x6a: {  	_ =	shalt  }
0x6b: {  	_ =	shalt  }
0x6c: {  	_ =	shalt  }
0x6d: {  	_ =	shalt  }
0x6e: {  	_ =	shalt  }
0x6f: {  	_ =	shalt  }
0x70: {  	_ =	shalt  }
0x71: {  	_ =	shalt  }
0x72: {  	_ =	shalt  }
0x73: {  	_ =	shalt  }
0x74: {  	_ =	shalt  }
0x75: {  	_ =	shalt  }
0x76: {  	_ =	shalt  }
0x77: {  	_ =	shalt  }
0x78: {  	_ =	shalt  }
0x79: {  	_ =	shalt  }
0x7a: {  	_ =	shalt  }
0x7b: {  	_ =	shalt  }
0x7c: {  	_ =	shalt  }
0x7d: {  	_ =	shalt  }
0x7e: {  	_ =	shalt  }
0x7f: {  	_ =	shalt  }
0x80: {  	_ =	shalt  }
0x81: {  	_ =	shalt  }
0x82: {  	_ =	shalt  }
0x83: {  	_ =	shalt  }
0x84: {  	_ =	shalt  }
0x85: {  	_ =	shalt  }
0x86: {  	_ =	shalt  }
0x87: {  	_ =	shalt  }
.Lfunc_end0:
.L_simem_size_0:
called_computation_lowered:
.L_overlay_start_0:
0x88: {  	s2 =	sld [smem:$0x3FD9]  }
0x89: {  	s3 =	sld [smem:$0x3FFE];
	_ =	sdelay $0x1  }
0x8a: {  	s1 =	srdreg.scid  }
0x8b: {  	s0 =	sand.u32 $0x1, s1  }
0x8c: {  	s14 =	sshll.u32 s0, $0xA;
	s2 =	sadd.s32 s3, s2  }
0x8d: {  	s2 =	sadd.s32 s2, s14  }
0x8e: {  	[smem:$0x3FBD] =	sst s2  }
0x8f: {  	_ = 	snop  }
0x90: {  	s2 =	sld [smem:$0x3FD0];
	_ =	sdelay $0x2  }
0x91: {  	s15 =	simm.s32 $0xA;
	s4 =	simm.s32 $0x10  }
0x92: {  	[smem:s4], [sflag:s15] =	dma.local [hbm:s2], $0x1  }
0x93: {  	_ =	swait.eq [sflag:s15], $0x1  }
0x94: {  	[sflag:s15] =	ssyncset.done $0x0  }
0x95: {  	[sflag:s15] =	ssyncadd.s32 $0xFFFFFFFF  }
0x96: {  	s16 =	sld [smem:$0x10];
	(tm) =	ssettm $0x1  }
0x97: {  	s17 =	sld [smem:$0x3FFB];
	_ =	sdelay $0x3  }
0x98: {  	_ =	strace s17  }
0x99: {  	s3 =	sld [smem:$0x3FFC];
	_ =	sdelay $0x3  }
0x9a: {  	_ =	strace s3  }
0x9b: {  	s3 =	sld [smem:$0x3FFD];
	_ =	sdelay $0x3  }
0x9c: {  	_ =	strace s3  }
0x9d: {  	_ =	strace $0x8FFFFFFF  }
0x9e: {  	s18 =	sld [smem:$0x3FDB];
	_ =	sdelay $0x1  }
0x9f: {  	s19 =	simm.s32 $_scs_section_size  }
0xa0: {  	s5 =	simm.s32 $_size__tile_overlayer_lowered;
	s6 =	simm.s32 $_tile_overlayer_lowered  }
0xa1: {  	s22 =	simm.s32 $0x1BFF;
	s21 =	sshll.u32 s6, $0x1;
	s3 =	sadd.s32 s19, s18  }
0xa2: {  	s7 =	simm.s32 $0x0;
	s20 =	sshll.u32 s5, $0x1;
	s5 =	sadd.s32 s21, s3  }
0xa3: {  	[timem:s7], [sflag:s22] =	dma.local [hbm:s5], s20  }
0xa4: {  	_ =	swait.ge [sflag:s22], s20  }
0xa5: {  	s4 =	ssub.s32 $0x0, s20;
	[sflag:s22] =	ssyncset.done $0x0  }
0xa6: {  	[sflag:s22] =	ssyncadd.s32 s4;
	_ =	sdelay $0x1  }
0xa7: {  	s23 =	simm.s32 $0x1B8B  }
0xa8: {  	_ =	swait.ge [sflag:s23], $0x1  }
0xa9: {  	[sflag:s23] =	ssyncset.done $0x0  }
0xaa: {  	s25 =	simm.s32 $0x1B8E;
	s24 =	sld [smem:$0x3FFE];
	[sflag:s23] =	ssyncadd.s32 $0xFFFFFFFF  }
0xab: {  	s26 =	simm.s32 $execute0_lowered;
	[smem:$0x3FD2] =	sst s25  }
0xac: {  	s5 =	sshll.u32 s26, $0x1;
	_ =	strace $0x80000046;
	[dreg:$0x1] =	wrdreg $0xFFFFFFFF  }
0xad: {  	s28 =	simm.s32 $_size_execute0_lowered;
	s3 =	sadd.s32 s3, s5;
	[dreg:$0x0] =	wrdreg $0x0  }
0xae: {  	s5 =	sshll.u32 s28, $0x1;
	[dreg:$0x2] =	wrdreg s3  }
0xaf: {  	[dreg:$0x3] =	wrdreg s5  }
0xb0: {  	[dreg:$0x4] =	wrdreg $0xC0  }
0xb1: {  	_ =	task [dreg:s7], $0x5FFFF  }
0xb2: {  	[dreg:$0x1] =	wrdreg $0xFFFFFFFF  }
0xb3: {  	[dreg:$0x0] =	wrdreg $0x60  }
0xb4: {  	[dreg:$0x2] =	wrdreg s24  }
0xb5: {  	[dreg:$0x3] =	wrdreg s16  }
0xb6: {  	[dreg:$0x4] =	wrdreg $0x0  }
0xb7: {  	[dreg:$0x5] =	wrdreg $0x9  }
0xb8: {  	_ =	task.clear_ibuf [dreg:s7], $0x6FFFF;
	_ =	strace $0x90000046  }
0xb9: {  	s29 =	simm.s32 $0x9;
	_ =	strace $0x80000048  }
0xba: {  	_ =	swait.ge [sflag:s29], $0x1  }
0xbb: {  	[sflag:s29] =	ssyncadd.s32 $0xFFFFFFFF  }
0xbc: {  	_ =	strace $0x90000048  }
0xbd: {  	_ =	sfence  }
0xbe: {  	s30 =	sld [smem:$0x0];
	_ =	sdelay $0x2  }
0xbf: {  	s31 =	sshll.u32 s1, $0xD;
	s1 =	sshrl.u32 s1, $0x2  }
0xc0: {  	s3 =	sand.u32 $0x4000, s31;
	s1 =	sadd.s32 s1, s30  }
0xc1: {  	s0 =	sor.u32 s3, s0;
	s1 =	sshll.u32 s1, $0x11  }
0xc2: {  	s0 =	sor.u32 s1, s0  }
0xc3: {  	s0 =	sadd.s32 $0x8F2B, s0  }
0xc4: {  	[sflag:s0] =	ssyncadd.remote.s32 $0x1  }
0xc5: {  	_ =	sfence.sel $0xFFFF  }
0xc6: {  	[dreg:$0x0] =	wrdreg $0xFFFFFFFF;
	(pc) =	sbr.abs _section_cstart, $3  }
0xc7: {  	[dreg:$0x1] =	wrdreg $0xFFFFFFFF  }
0xc8: {  	_ =	task.clear_ibuf [dreg:s7], $0x2FFFF;
	_ =	strace $0x9FFFFFFF  }
0xc9: {  	(tm) =	ssettm $0x7FFFFFFF  }
tec
execute0_lowered:
.L_overlay_start_1:
0x0: {  	(tag) =	ssettag $0x1  }
0x1: {  	s8 =	rddreg [dreg:$0x0]  }
0x2: {  	s2 =	rddreg [dreg:$0x1];
	s0 =	srdreg.scid  }
0x3: {  	s3 =	rddreg [dreg:$0x2];
	s1 =	stileid.u32;
	s4 =	simm.s32 $0x0  }
0x4: {  	s17 =	simm.s32 $0x7D;
	s18 =	simm.s32 $0x16800;
	s19 =	simm.s32 $0x14080  }
0x5: {  	s20 =	simm.s32 $0x1A800;
	s21 =	simm.s32 $0x1;
	s22 =	simm.s32 $0x2  }
0x6: {  	s23 =	simm.s32 $0x3;
	s24 =	simm.s32 $0x4;
	s6 =	smul.u32 $0x1400, s1  }
0x7: {  	s25 =	simm.s32 $0x16700;
	s26 =	simm.s32 $0x16780;
	s10 =	smul.u32 $0x50000, s1  }
0x8: {  	s28 =	simm.s32 $0x0;
	s7 =	sand.u32 $0x1, s0;
	s14 =	smul.u32 $0x14000, s1  }
0x9: {  	[smem:$0x7FF] =	sst s4;
	s15 =	sshll.u32 s1, $0x6;
	s5 =	smul.u32 $0x14000, s7  }
0xa: {  	_ =	strace $0x80000047;
	s11 =	ssub.s32 $0x2, s7;
	s12 =	smul.u32 $0x3C0000, s7  }
0xb: {  	s7 =	sadd.s32 $0x7F200, s8;
	s15 =	sor.u32 $0x1C05, s15;
	s13 =	sshrl.u32 s11, $0x1  }
0xc: {  	s10 =	sshrl.u32 s10, $0x2;
	s5 =	sadd.s32 s6, s5;
	s6 =	sadd.s32 $0x7200, s8  }
0xd: {  	s11 =	ssub.s32 s11, s13;
	s16 =	sadd.s32 s10, s3;
	s10 =	sadd.s32 s12, s14  }
0xe: {  	s12 =	simm.s32 $0x15400;
	s13 =	simm.s32 $0x5;
	s9 =	sshrl.u32 s5, $0x3  }
0xf: {  	s14 =	simm.s32 $0x14000;
	s11 =	smax.u32 s11, $0x1;
	s9 =	sadd.s32 s9, s8  }
0x10: {  	s16 =	sshrl.u32 s16, $0x3;
	s8 =	sadd.s32 $0x81A00, s8;
	s9 =	sadd.s32 $0x2200, s9  }
.LBB2_1:
0x11: {  	[tilespmem:s12], [sflag:$0x5] =	stream.linear.gather [hbm4b:s9+s4], $0x1400, $0x38;
	[tilespmem:$0x1E800] =	vst v63  }
0x12: {  	_ =	swait.ge [sflag:s13], $0x1400  }
0x13: {  	[sflag:s13] =	ssyncset.done $0x0  }
0x14: {  	s29 =	simm.s32 $0x0;
	[sflag:s13] =	ssyncadd.s32 $0xFFFFEC00  }
.LBB2_2:
0x15: {  	s30 =	smul.u32 $0x28000, s29;
	_ =	sdelay $0x1  }
0x16: {  	s30 =	sadd.s32 s30, s5  }
0x17: {  	s30 =	sshrl.u32 s30, $0x3  }
0x18: {  	s31 =	simm.s32 $0x0;
	s30 =	sadd.s32 s2, s30  }
0x19: {  	[tilespmem:s14], [sflag:$0x5] =	stream.linear.gather [hbm4b:s30+s31], $0x1400, $0x38;
	[tilespmem:$0x1E800] =	vst v63  }
0x1a: {  	_ =	swait.ge [sflag:s13], $0x1400  }
0x1b: {  	[sflag:s13] =	ssyncset.done $0x0  }
0x1c: {  	[sflag:s13] =	ssyncadd.s32 $0xFFFFEC00  }
0x1d: {  	[spmem:s16], [sflag:s15] =	dma.local [hbm:s7], $0x2800  }
0x1e: {  	_ =	swait.ge [sflag:s13], $0x2800  }
0x1f: {  	[sflag:s13] =	ssyncset.done $0x0  }
0x20: {  	[sflag:s13] =	ssyncadd.s32 $0xFFFFD800  }
0x21: {  	[bflag:$0x0] =	sbarrier.arrive $0xFFFF  }
0x22: {  	[tilespmem:s18], [sflag:$0x1] =	stream.indirect.gather [hbm4b:s6+s17], $0x80, s14, s17, $0xb8;
	[tilespmem:$0x1E800] =	vst v63  }
0x23: {  	_ = 	snop  }
0x24: {  	[tilespmem:s20], [sflag:$0x2] =	stream.indirect.gather [hbm4b:s6+s17], $0x80, s19, s17, $0xb8;
	[tilespmem:$0x1E800] =	vst v63  }
0x25: {  	_ =	swait.ge [sflag:s21], $0x3E80  }
0x26: {  	[sflag:s21] =	ssyncset.done $0x0  }
0x27: {  	s30 =	simm.s32 $0x15400;
	[sflag:s21] =	ssyncadd.s32 $0xFFFFC180  }
0x28: {  	[spmem:s3] =	stream.indirect.scatter.add.f32 [tilespmem:s18], [sflag:$0x3], $0x80, s30, s17, $0xb8;
	[tilespmem:$0x1E800] =	vst v63  }
0x29: {  	_ =	swait.ge [sflag:s22], $0x3E80  }
0x2a: {  	[sflag:s22] =	ssyncset.done $0x0  }
0x2b: {  	s30 =	simm.s32 $0x15480;
	[sflag:s22] =	ssyncadd.s32 $0xFFFFC180  }
0x2c: {  	[spmem:s3] =	stream.indirect.scatter.add.f32 [tilespmem:s20], [sflag:$0x4], $0x80, s30, s17, $0xb8;
	[tilespmem:$0x1E800] =	vst v63  }
0x2d: {  	_ =	swait.ge [sflag:s23], $0x3E80  }
0x2e: {  	[sflag:s23] =	ssyncset.done $0x0  }
0x2f: {  	s30 =	simm.s32 $0x14100;
	[sflag:s23] =	ssyncadd.s32 $0xFFFFC180  }
0x30: {  	[tilespmem:s18], [sflag:$0x1] =	stream.indirect.gather [hbm4b:s6+s17], $0x80, s30, s17, $0xb8;
	[tilespmem:$0x1E800] =	vst v63  }
0x31: {  	_ =	swait.ge [sflag:s24], $0x3E80  }
0x32: {  	[sflag:s24] =	ssyncset.done $0x0  }
0x33: {  	s31 =	simm.s32 $0x14180;
	s30 =	simm.s32 $0x400;
	[sflag:s24] =	ssyncadd.s32 $0xFFFFC180  }
.LBB2_3:
0x34: {  	[tilespmem:s20], [sflag:$0x2] =	stream.indirect.gather [hbm4b:s6+s17], $0x80, s31, s17, $0xb8;
	[tilespmem:$0x1E800] =	vst v63  }
0x35: {  	s31 =	smov.u32 s30  }
0x36: {  	p0 =	sne.s32 s30, $0x4800;
	s30 =	sadd.s32 $0x400, s30;
	_ =	swait.ge [sflag:s21], $0x3E80  }
0x37: {  	s31 =	sshra.s32 s31, $0x2;
	[sflag:s21] =	ssyncset.done $0x0  }
0x38: {  	s0 =	sadd.s32 $0x15400, s31;
	[sflag:s21] =	ssyncadd.s32 $0xFFFFC180  }
0x39: {  	[spmem:s3] =	stream.indirect.scatter.add.f32 [tilespmem:s18], [sflag:$0x3], $0x80, s0, s17, $0xb8;
	[tilespmem:$0x1E800] =	vst v63  }
0x3a: {  	_ =	swait.ge [sflag:s22], $0x3E80  }
0x3b: {  	[sflag:s22] =	ssyncset.done $0x0  }
0x3c: {  	s0 =	sadd.s32 $0x15480, s31;
	[sflag:s22] =	ssyncadd.s32 $0xFFFFC180  }
0x3d: {  	[spmem:s3] =	stream.indirect.scatter.add.f32 [tilespmem:s20], [sflag:$0x4], $0x80, s0, s17, $0xb8;
	[tilespmem:$0x1E800] =	vst v63  }
0x3e: {  	_ =	swait.ge [sflag:s23], $0x3E80  }
0x3f: {  	[sflag:s23] =	ssyncset.done $0x0  }
.Ltmp0:
0x40: {  	s0 =	sadd.s32 $0x14100, s31;
	[sflag:s23] =	ssyncadd.s32 $0xFFFFC180;
	(pc) =	sbr.rel @p0 .LBB2_3-.Ltmp0, $4  }
0x41: {  	[tilespmem:s18], [sflag:$0x1] =	stream.indirect.gather [hbm4b:s6+s17], $0x80, s0, s17, $0xb8;
	[tilespmem:$0x1E800] =	vst v63  }
0x42: {  	_ =	swait.ge [sflag:s24], $0x3E80  }
0x43: {  	[sflag:s24] =	ssyncset.done $0x0  }
0x44: {  	s31 =	sadd.s32 $0x14180, s31;
	[sflag:s24] =	ssyncadd.s32 $0xFFFFC180  }
0x45: {  	[tilespmem:s20], [sflag:$0x2] =	stream.indirect.gather [hbm4b:s6+s17], $0x80, s31, s17, $0xb8;
	[tilespmem:$0x1E800] =	vst v63  }
0x46: {  	_ =	swait.ge [sflag:s21], $0x3E80  }
0x47: {  	[sflag:s21] =	ssyncset.done $0x0  }
0x48: {  	[sflag:s21] =	ssyncadd.s32 $0xFFFFC180  }
0x49: {  	[spmem:s3] =	stream.indirect.scatter.add.f32 [tilespmem:s18], [sflag:$0x3], $0x80, s25, s17, $0xb8;
	[tilespmem:$0x1E800] =	vst v63  }
0x4a: {  	_ =	swait.ge [sflag:s22], $0x3E80  }
0x4b: {  	[sflag:s22] =	ssyncset.done $0x0  }
0x4c: {  	[sflag:s22] =	ssyncadd.s32 $0xFFFFC180  }
0x4d: {  	[spmem:s3] =	stream.indirect.scatter.add.f32 [tilespmem:s20], [sflag:$0x4], $0x80, s26, s17, $0xb8;
	[tilespmem:$0x1E800] =	vst v63  }
0x4e: {  	_ =	swait.ge [sflag:s23], $0x3E80  }
0x4f: {  	[sflag:s23] =	ssyncset.done $0x0  }
0x50: {  	s0 =	smul.u32 $0x140000, s29;
	[sflag:s23] =	ssyncadd.s32 $0xFFFFC180  }
0x51: {  	_ =	swait.ge [sflag:s24], $0x3E80  }
0x52: {  	s0 =	sadd.s32 s0, s10;
	[sflag:s24] =	ssyncset.done $0x0  }
0x53: {  	s29 =	sadd.s32 $0x1, s29;
	s0 =	sshrl.u32 s0, $0x3;
	[sflag:s24] =	ssyncadd.s32 $0xFFFFC180  }
0x54: {  	p0 =	sne.s32 s29, $0x3;
	s0 =	sadd.s32 s8, s0;
	[bflag:$0x0] =	sbarrier.arrive $0xFFFF  }
0x55: {  	[hbm:s0], [sflag:s15] =	dma.local [spmem:s16], $0x2800  }
.Ltmp1:
0x56: {  	_ =	swait.ge [sflag:s13], $0x2800;
	(pc) =	sbr.rel @p0 .LBB2_2-.Ltmp1, $3  }
0x57: {  	[sflag:s13] =	ssyncset.done $0x0  }
0x58: {  	[sflag:s13] =	ssyncadd.s32 $0xFFFFD800  }
0x59: {  	[bflag:$0x0] =	sbarrier.arrive $0xFFFF;
	_ =	sdelay $0x1  }
0x5a: {  	s28 =	sadd.s32 $0x1, s28  }
0x5b: {  	p0 =	sne.s32 s28, s11  }
.Ltmp2:
0x5c: {  	_ = 	snop;
	(pc) =	sbr.rel @p0 .LBB2_1-.Ltmp2, $1  }
0x5d: {  	_ =	sdelay $0x3  }
0x5e: {  	_ =	sfence.sel $0x180000  }
0x5f: {  	[bflag:$0x0] =	sbarrier.arrive $0xFFFF  }
0x60: {  	_ =	strace $0x90000047  }
0x61: {  	[bflag:$0x2] =	sbarrier.arrive $0xFFFF  }
0x62: {  	p0 =	sne.s32 s1, $0x0;
	s0 =	rddreg [dreg:$0x3]  }
0x63: {  	s0 =	sadd.s32 @!p0 $0x100000, s0  }
0x64: {  	[sflag:s0] =	ssyncadd.tile.s32 @!p0 $0x1;
	_ =	shalt  }
.Lfunc_end2:
_tile_overlayer_lowered:
.L_overlay_start_2:
0x65: {  	(tag) =	ssettag $0x2  }
0x66: {  	s0 =	rddreg [dreg:$0x0];
	s2 =	stileid.u32  }
0x67: {  	s1 =	rddreg [dreg:$0x1];
	p0 =	sne.s32 s2, $0x0  }
0x68: {  	s3 =	rddreg [dreg:$0x2];
	[bflag:$0x3] =	sbarrier.arrive $0xFFFF;
	s2 =	simm.s32 @!p0 $0x1C05  }
0x69: {  	[timem:s3], [sflag:s2] =	dma.local @!p0 [hbm:s0], s1  }
0x6a: {  	s0 =	simm.s32 @!p0 $0x5  }
0x6b: {  	_ =	swait.ge @!p0 [sflag:s0], s1  }
0x6c: {  	s1 =	ssub.s32 @!p0 $0x0, s1;
	[sflag:s0] =	ssyncset.done @!p0 $0x0  }
0x6d: {  	[sflag:s0] =	ssyncadd.s32 @!p0 s1  }
0x6e: {  	[bflag:$0x3] =	sbarrier.arrive $0xFFFF  }
0x6f: {  	_ =	shalt  }

</sc_bundles>
